<compile_context>
chip_gen: v7x
topology: tpu7x:2x2x1
jax: 0.10.2.dev20260603
libtpu: 0.0.44.dev20260713+nightly
codegen_flags: <defaults>
</compile_context>

<pallas_src>
import functools
import math

import jax
import jax.numpy as jnp
from jax import lax
from jax.experimental import pallas as pl
from jax.experimental.pallas import tpu as pltpu
from jax.experimental.pallas import tpu_sc as plsc

N_WORKERS = 32
BLK = 3200
NBUF = 4
NEG_2PI2 = -2.0 * math.pi ** 2


@jax.jit
def _scaler_call(fcalc, s_t, bins, log_scale, U):
    n = fcalc.shape[0]
    assert n % BLK == 0
    nblocks = n // BLK
    blocks_per_worker = -(-nblocks // N_WORKERS)
    assert blocks_per_worker % NBUF == 0

    mesh = plsc.VectorSubcoreMesh(core_axis_name="c", subcore_axis_name="s")

    scratch = []
    for _ in range(NBUF):
        scratch += [
            pltpu.VMEM((BLK,), jnp.float32),
            pltpu.VMEM((BLK,), jnp.int32),
            pltpu.VMEM((3, BLK), jnp.float32),
            pltpu.VMEM((BLK,), jnp.float32),
            pltpu.SemaphoreType.DMA,
            pltpu.SemaphoreType.DMA,
        ]
    scratch += [
        pltpu.VMEM((32,), jnp.float32),
        pltpu.VMEM((32,), jnp.float32),
    ]

    @functools.partial(
        pl.kernel,
        mesh=mesh,
        compiler_params=pltpu.CompilerParams(needs_layout_passes=False),
        out_type=jax.ShapeDtypeStruct((n,), jnp.float32),
        scratch_types=scratch,
    )
    def scaler_kernel(fcalc_hbm, st_hbm, bins_hbm, ls_hbm, u_hbm, out_hbm,
                      *bufs_flat):
        bufs = [bufs_flat[6 * i: 6 * i + 6] for i in range(NBUF)]
        tab_v = bufs_flat[6 * NBUF]
        stg_v = bufs_flat[6 * NBUF + 1]
        wid = lax.axis_index("s") * 2 + lax.axis_index("c")

        stg_v[pl.ds(0, 16)] = jnp.zeros((16,), jnp.float32)
        stg_v[pl.ds(16, 16)] = jnp.zeros((16,), jnp.float32)
        pltpu.sync_copy(ls_hbm, stg_v.at[pl.ds(0, 20)])
        pltpu.sync_copy(u_hbm, stg_v.at[pl.ds(24, 6)])
        lo = stg_v[pl.ds(0, 16)]
        hi = stg_v[pl.ds(4, 16)]
        tab_v[pl.ds(0, 16)] = jnp.exp(lo)
        tab_v[pl.ds(4, 16)] = jnp.exp(hi)

        uvec = stg_v[pl.ds(16, 16)]
        lane = lax.iota(jnp.int32, 16)

        def ubcast(j, c):
            uj = jnp.sum(jnp.where(lane == j + 8, uvec, 0.0), axis=0)
            return lax.broadcast_in_dim(c * uj, (16,), ())

        a_xx = ubcast(0, NEG_2PI2)
        a_yy = ubcast(1, NEG_2PI2)
        a_zz = ubcast(2, NEG_2PI2)
        a_xy = ubcast(3, 2.0 * NEG_2PI2)
        a_xz = ubcast(4, 2.0 * NEG_2PI2)
        a_yz = ubcast(5, 2.0 * NEG_2PI2)

        def block_base(j):
            b = wid + N_WORKERS * j
            b = jnp.where(b < nblocks, b, b - N_WORKERS)
            return b * BLK

        def start_in(j, p):
            base = block_base(j)
            f_v, bi_v, s_v, _, isem, _ = bufs[p]
            pltpu.async_copy(fcalc_hbm.at[pl.ds(base, BLK)], f_v, isem)
            pltpu.async_copy(bins_hbm.at[pl.ds(base, BLK)], bi_v, isem)
            pltpu.async_copy(st_hbm.at[:, pl.ds(base, BLK)], s_v, isem)

        def wait_in(p):
            f_v, bi_v, s_v, _, isem, _ = bufs[p]
            pltpu.make_async_copy(fcalc_hbm.at[pl.ds(0, BLK)], f_v, isem).wait()
            pltpu.make_async_copy(bins_hbm.at[pl.ds(0, BLK)], bi_v, isem).wait()
            pltpu.make_async_copy(st_hbm.at[:, pl.ds(0, BLK)], s_v, isem).wait()

        def start_out(j, p):
            base = block_base(j)
            o_v, osem = bufs[p][3], bufs[p][5]
            pltpu.async_copy(o_v, out_hbm.at[pl.ds(base, BLK)], osem)

        def wait_out(p):
            o_v, osem = bufs[p][3], bufs[p][5]
            pltpu.make_async_copy(o_v, out_hbm.at[pl.ds(0, BLK)], osem).wait()

        def compute(p):
            f_v, bi_v, s_v, o_v = bufs[p][:4]

            @plsc.parallel_loop(0, BLK, 16, unroll=4)
            def body(off):
                x = s_v[0, pl.ds(off, 16)]
                y = s_v[1, pl.ds(off, 16)]
                z = s_v[2, pl.ds(off, 16)]
                scale = plsc.load_gather(tab_v, [bi_v[pl.ds(off, 16)]])
                f = f_v[pl.ds(off, 16)]
                t0 = a_xx * x + a_xy * y + a_xz * z
                t1 = a_yy * y + a_yz * z
                q = x * t0 + y * t1 + a_zz * (z * z)
                o_v[pl.ds(off, 16)] = f * scale * jnp.exp(q)

        for p in range(NBUF):
            start_in(p, p)

        @pl.loop(0, blocks_per_worker, step=NBUF)
        def outer(j0):
            for b in range(NBUF):
                jj = j0 + b
                wait_in(b)

                @pl.when(jj >= NBUF)
                def _():
                    wait_out(b)

                compute(b)
                start_out(jj, b)

                @pl.when(jj + NBUF < blocks_per_worker)
                def _():
                    start_in(jj + NBUF, b)

        for p in range(NBUF):
            wait_out(p)

    return scaler_kernel(fcalc, s_t, bins, log_scale, U)


def kernel(fcalc, s, bins, log_scale, U):
    return _scaler_call(fcalc, s.T, bins.astype(jnp.int32), log_scale, U)

# --- scband reference (transcript-rebuilt; emitter-appended) ---
"""Pipeline reference for scband-scaler-50328426774775 (READ-ONLY COPY).

The authoritative reference and input builder live on the scoring server;
editing this copy changes nothing except your own understanding.
"""

import jax, jax.numpy as jnp
import numpy as np

N = 2000000
NBINS = 20

def U_to_matrix(U):
    # Symmetric 3x3 anisotropic displacement matrix from 6 independent components
    row0 = jnp.stack([U[0], U[3], U[4]])
    row1 = jnp.stack([U[3], U[1], U[5]])
    row2 = jnp.stack([U[4], U[5], U[2]])
    return jnp.stack([row0, row1, row2])


def setup_inputs(seed: int = 0) -> dict:
    key = jax.random.key(seed)
    k1, k2, k3, k4, k5 = jax.random.split(key, 5)
    # calculated structure factor amplitudes (positive)
    fcalc = jax.random.uniform(k1, (N,), dtype=jnp.float32)
    # scattering vectors s = reciprocal-space vectors for each reflection
    s = jax.random.normal(k2, (N, 3), dtype=jnp.float32)
    # resolution bin assignment per reflection (buffer self.bins)
    bins = jax.random.randint(k3, (N,), 0, NBINS, dtype=jnp.int32)
    # learned per-bin log scale factors (self.log_scale, nn.Parameter of size nbins)
    log_scale = 0.01 * jax.random.normal(k4, (NBINS,), dtype=jnp.float32)
    # learned anisotropy parameters (self.U, nn.Parameter of size 6, init N(0, 0.001))
    U = 0.001 * jax.random.normal(k5, (6,), dtype=jnp.float32)
    return {"fcalc": fcalc, "s": s, "bins": bins, "log_scale": log_scale, "U": U}


def reference(fcalc, s, bins, log_scale, U):
    # Scaler.forward(fcalc): apply per-resolution-bin scale (gather of exp(log_scale)
    # by bin index) and anisotropy correction exp(-2*pi^2 * s^T U s).
    Umat = U_to_matrix(U)
    aniso = jnp.exp(-2.0 * (jnp.pi ** 2) * jnp.einsum('ij,jk,ik->i', s, Umat, s))
    bin_scale = jnp.take(jnp.exp(log_scale), bins, axis=0)
    scaled_fcalc = fcalc * bin_scale * aniso
    return scaled_fcalc

if __name__ == "__main__":
    import jax
    _d = setup_inputs()
    print(jax.jit(kernel)(*tuple(_d.values())))

</pallas_src>

<mosaic_0001>
#map = affine_map<(d0, d1) -> (0)>
#map1 = affine_map<(d0, d1) -> (0, 0)>
module attributes {stable_mosaic.version = 14 : i64} {
  func.func @scaler_kernel(%arg0: i32, %arg1: i32, %arg2: memref<2000000xf32, #tpu.memory_space<hbm>>, %arg3: memref<3x2000000xf32, #tpu.memory_space<hbm>>, %arg4: memref<2000000xi32, #tpu.memory_space<hbm>>, %arg5: memref<20xf32, #tpu.memory_space<hbm>>, %arg6: memref<6xf32, #tpu.memory_space<hbm>>, %arg7: memref<2000000xf32, #tpu.memory_space<hbm>>, %arg8: memref<3200xf32, #tpu.memory_space<vmem>>, %arg9: memref<3200xi32, #tpu.memory_space<vmem>>, %arg10: memref<3x3200xf32, #tpu.memory_space<vmem>>, %arg11: memref<3200xf32, #tpu.memory_space<vmem>>, %arg12: memref<!tpu.dma_semaphore, #tpu.memory_space<semaphore_mem>>, %arg13: memref<!tpu.dma_semaphore, #tpu.memory_space<semaphore_mem>>, %arg14: memref<3200xf32, #tpu.memory_space<vmem>>, %arg15: memref<3200xi32, #tpu.memory_space<vmem>>, %arg16: memref<3x3200xf32, #tpu.memory_space<vmem>>, %arg17: memref<3200xf32, #tpu.memory_space<vmem>>, %arg18: memref<!tpu.dma_semaphore, #tpu.memory_space<semaphore_mem>>, %arg19: memref<!tpu.dma_semaphore, #tpu.memory_space<semaphore_mem>>, %arg20: memref<3200xf32, #tpu.memory_space<vmem>>, %arg21: memref<3200xi32, #tpu.memory_space<vmem>>, %arg22: memref<3x3200xf32, #tpu.memory_space<vmem>>, %arg23: memref<3200xf32, #tpu.memory_space<vmem>>, %arg24: memref<!tpu.dma_semaphore, #tpu.memory_space<semaphore_mem>>, %arg25: memref<!tpu.dma_semaphore, #tpu.memory_space<semaphore_mem>>, %arg26: memref<3200xf32, #tpu.memory_space<vmem>>, %arg27: memref<3200xi32, #tpu.memory_space<vmem>>, %arg28: memref<3x3200xf32, #tpu.memory_space<vmem>>, %arg29: memref<3200xf32, #tpu.memory_space<vmem>>, %arg30: memref<!tpu.dma_semaphore, #tpu.memory_space<semaphore_mem>>, %arg31: memref<!tpu.dma_semaphore, #tpu.memory_space<semaphore_mem>>, %arg32: memref<32xf32, #tpu.memory_space<vmem>>, %arg33: memref<32xf32, #tpu.memory_space<vmem>>) attributes {dimension_semantics = [#tpu.dimension_semantics<core_parallel>, #tpu.dimension_semantics<subcore_parallel>], iteration_bounds = array<i64: 2, 16>, scalar_prefetch = 0 : i64, scratch_operands = 26 : i64, tpu.core_type = #tpu.core_type<sc_vector_subcore>, window_params = [{transform_indices = #map}, {transform_indices = #map1}, {transform_indices = #map}, {transform_indices = #map}, {transform_indices = #map}, {transform_indices = #map}]} {
    %mul3A = arith.constant 2 : i32
    %mul3A_0 = arith.muli %arg1, %mul3A : i32
    %add3A = arith.addi %mul3A_0, %arg0 : i32
    %broadcast_in_dim3A = arith.constant 0.000000e+00 : f32
    %broadcast_in_dim3A_1 = vector.broadcast %broadcast_in_dim3A : f32 to vector<16xf32>
    %swap3A = arith.constant 0 : index
    %swap3A_2 = tpu.vector_load %arg33[%swap3A] {strides = array<i32>} : memref<32xf32, #tpu.memory_space<vmem>>, vector<16xf32>,
    tpu.vector_store %arg33[%swap3A], %broadcast_in_dim3A_1 {strides = array<i32>} : memref<32xf32, #tpu.memory_space<vmem>>, vector<16xf32>,
    %broadcast_in_dim3A_3 = arith.constant 0.000000e+00 : f32
    %broadcast_in_dim3A_4 = vector.broadcast %broadcast_in_dim3A_3 : f32 to vector<16xf32>
    %swap3A_5 = arith.constant 16 : index
    %swap3A_6 = tpu.vector_load %arg33[%swap3A_5] {strides = array<i32>} : memref<32xf32, #tpu.memory_space<vmem>>, vector<16xf32>,
    tpu.vector_store %arg33[%swap3A_5], %broadcast_in_dim3A_4 {strides = array<i32>} : memref<32xf32, #tpu.memory_space<vmem>>, vector<16xf32>,
    "tpu.region"() ({
      %run_scoped3A = tpu.sem_alloc : memref<!tpu.dma_semaphore, #tpu.memory_space<semaphore_mem>>
      %dma_start3A_175 = arith.constant 0 : i32
      %dma_start3A_176 = tpu.memref_slice %arg33[%dma_start3A_175] : memref<32xf32, #tpu.memory_space<vmem>> -> memref<20xf32, #tpu.memory_space<vmem>>
      %dma_start3A_177 = arith.constant 0 : i32
      %dma_start3A_178 = tpu.memref_slice %arg33[%dma_start3A_177] : memref<32xf32, #tpu.memory_space<vmem>> -> memref<20xf32, #tpu.memory_space<vmem>>
      tpu.enqueue_dma source(%arg5 : memref<20xf32, #tpu.memory_space<hbm>>) target(%dma_start3A_178 : memref<20xf32, #tpu.memory_space<vmem>>) target_semaphore(%run_scoped3A : memref<!tpu.dma_semaphore, #tpu.memory_space<semaphore_mem>>)
      %dma_wait3A_179 = arith.constant 0 : i32
      %dma_wait3A_180 = tpu.memref_slice %arg33[%dma_wait3A_179] : memref<32xf32, #tpu.memory_space<vmem>> -> memref<20xf32, #tpu.memory_space<vmem>>
      %dma_wait3A_181 = arith.constant 0 : i32
      %dma_wait3A_182 = tpu.memref_slice %arg33[%dma_wait3A_181] : memref<32xf32, #tpu.memory_space<vmem>> -> memref<20xf32, #tpu.memory_space<vmem>>
      tpu.wait_dma2 semaphore(%run_scoped3A : memref<!tpu.dma_semaphore, #tpu.memory_space<semaphore_mem>>) src(%arg5 : memref<20xf32, #tpu.memory_space<hbm>>) dst(%dma_wait3A_182 : memref<20xf32, #tpu.memory_space<vmem>>)
      tpu.yield
    }) : () -> ()
    "tpu.region"() ({
      %run_scoped3A = tpu.sem_alloc : memref<!tpu.dma_semaphore, #tpu.memory_space<semaphore_mem>>
      %dma_start3A_175 = arith.constant 24 : i32
      %dma_start3A_176 = tpu.memref_slice %arg33[%dma_start3A_175] : memref<32xf32, #tpu.memory_space<vmem>> -> memref<6xf32, #tpu.memory_space<vmem>>
      %dma_start3A_177 = arith.constant 24 : i32
      %dma_start3A_178 = tpu.memref_slice %arg33[%dma_start3A_177] : memref<32xf32, #tpu.memory_space<vmem>> -> memref<6xf32, #tpu.memory_space<vmem>>
      tpu.enqueue_dma source(%arg6 : memref<6xf32, #tpu.memory_space<hbm>>) target(%dma_start3A_178 : memref<6xf32, #tpu.memory_space<vmem>>) target_semaphore(%run_scoped3A : memref<!tpu.dma_semaphore, #tpu.memory_space<semaphore_mem>>)
      %dma_wait3A_179 = arith.constant 24 : i32
      %dma_wait3A_180 = tpu.memref_slice %arg33[%dma_wait3A_179] : memref<32xf32, #tpu.memory_space<vmem>> -> memref<6xf32, #tpu.memory_space<vmem>>
      %dma_wait3A_181 = arith.constant 24 : i32
      %dma_wait3A_182 = tpu.memref_slice %arg33[%dma_wait3A_181] : memref<32xf32, #tpu.memory_space<vmem>> -> memref<6xf32, #tpu.memory_space<vmem>>
      tpu.wait_dma2 semaphore(%run_scoped3A : memref<!tpu.dma_semaphore, #tpu.memory_space<semaphore_mem>>) src(%arg6 : memref<6xf32, #tpu.memory_space<hbm>>) dst(%dma_wait3A_182 : memref<6xf32, #tpu.memory_space<vmem>>)
      tpu.yield
    }) : () -> ()
    %get3A = arith.constant 0 : index
    %get3A_7 = tpu.vector_load %arg33[%get3A] {strides = array<i32>} : memref<32xf32, #tpu.memory_space<vmem>>, vector<16xf32>,
    %get3A_8 = arith.constant 4 : index
    %get3A_9 = tpu.vector_load %arg33[%get3A_8] {strides = array<i32>} : memref<32xf32, #tpu.memory_space<vmem>>, vector<16xf32>,
    %exp3A = math.exp %get3A_7 : vector<16xf32>
    %swap3A_10 = arith.constant 0 : index
    %swap3A_11 = tpu.vector_load %arg32[%swap3A_10] {strides = array<i32>} : memref<32xf32, #tpu.memory_space<vmem>>, vector<16xf32>,
    tpu.vector_store %arg32[%swap3A_10], %exp3A {strides = array<i32>} : memref<32xf32, #tpu.memory_space<vmem>>, vector<16xf32>,
    %exp3A_12 = math.exp %get3A_9 : vector<16xf32>
    %swap3A_13 = arith.constant 4 : index
    %swap3A_14 = tpu.vector_load %arg32[%swap3A_13] {strides = array<i32>} : memref<32xf32, #tpu.memory_space<vmem>>, vector<16xf32>,
    tpu.vector_store %arg32[%swap3A_13], %exp3A_12 {strides = array<i32>} : memref<32xf32, #tpu.memory_space<vmem>>, vector<16xf32>,
    %get3A_15 = arith.constant 16 : index
    %get3A_16 = tpu.vector_load %arg33[%get3A_15] {strides = array<i32>} : memref<32xf32, #tpu.memory_space<vmem>>, vector<16xf32>,
    %iota3A = tpu.iota {dimensions = array<i32: 0>} : vector<16xi32>
    %eq3A = arith.constant 8 : i32
    %eq3A_17 = vector.broadcast %eq3A : i32 to vector<16xi32>
    %eq3A_18 = arith.cmpi eq, %iota3A, %eq3A_17 : vector<16xi32>
    %jit3A = arith.constant 0.000000e+00 : f32
    %broadcast_in_dim3A_19 = vector.broadcast %jit3A : f32 to vector<16xf32>
    %select_n3A = arith.select %eq3A_18, %get3A_16, %broadcast_in_dim3A_19 : vector<16xi1>, vector<16xf32>
    %reduce_sum3A = arith.constant true
    %reduce_sum3A_20 = vector.broadcast %reduce_sum3A : i1 to vector<16xi1>
    %reduce_sum3A_21 = tpu.scan <sum>, %select_n3A masked %reduce_sum3A_20 : vector<16xf32>, vector<16xi1> -> vector<16xf32>
    %reduce_sum3A_22 = vector.extract %reduce_sum3A_21[15] : f32 from vector<16xf32>
    %mul3A_23 = arith.constant -19.7392082 : f32
    %mul3A_24 = arith.mulf %mul3A_23, %reduce_sum3A_22 : f32
    %broadcast_in_dim3A_25 = vector.broadcast %mul3A_24 : f32 to vector<16xf32>
    %eq3A_26 = arith.constant 9 : i32
    %eq3A_27 = vector.broadcast %eq3A_26 : i32 to vector<16xi32>
    %eq3A_28 = arith.cmpi eq, %iota3A, %eq3A_27 : vector<16xi32>
    %jit3A_29 = arith.constant 0.000000e+00 : f32
    %broadcast_in_dim3A_30 = vector.broadcast %jit3A_29 : f32 to vector<16xf32>
    %select_n3A_31 = arith.select %eq3A_28, %get3A_16, %broadcast_in_dim3A_30 : vector<16xi1>, vector<16xf32>
    %reduce_sum3A_32 = arith.constant true
    %reduce_sum3A_33 = vector.broadcast %reduce_sum3A_32 : i1 to vector<16xi1>
    %reduce_sum3A_34 = tpu.scan <sum>, %select_n3A_31 masked %reduce_sum3A_33 : vector<16xf32>, vector<16xi1> -> vector<16xf32>
    %reduce_sum3A_35 = vector.extract %reduce_sum3A_34[15] : f32 from vector<16xf32>
    %mul3A_36 = arith.constant -19.7392082 : f32
    %mul3A_37 = arith.mulf %mul3A_36, %reduce_sum3A_35 : f32
    %broadcast_in_dim3A_38 = vector.broadcast %mul3A_37 : f32 to vector<16xf32>
    %eq3A_39 = arith.constant 10 : i32
    %eq3A_40 = vector.broadcast %eq3A_39 : i32 to vector<16xi32>
    %eq3A_41 = arith.cmpi eq, %iota3A, %eq3A_40 : vector<16xi32>
    %jit3A_42 = arith.constant 0.000000e+00 : f32
    %broadcast_in_dim3A_43 = vector.broadcast %jit3A_42 : f32 to vector<16xf32>
    %select_n3A_44 = arith.select %eq3A_41, %get3A_16, %broadcast_in_dim3A_43 : vector<16xi1>, vector<16xf32>
    %reduce_sum3A_45 = arith.constant true
    %reduce_sum3A_46 = vector.broadcast %reduce_sum3A_45 : i1 to vector<16xi1>
    %reduce_sum3A_47 = tpu.scan <sum>, %select_n3A_44 masked %reduce_sum3A_46 : vector<16xf32>, vector<16xi1> -> vector<16xf32>
    %reduce_sum3A_48 = vector.extract %reduce_sum3A_47[15] : f32 from vector<16xf32>
    %mul3A_49 = arith.constant -19.7392082 : f32
    %mul3A_50 = arith.mulf %mul3A_49, %reduce_sum3A_48 : f32
    %broadcast_in_dim3A_51 = vector.broadcast %mul3A_50 : f32 to vector<16xf32>
    %eq3A_52 = arith.constant 11 : i32
    %eq3A_53 = vector.broadcast %eq3A_52 : i32 to vector<16xi32>
    %eq3A_54 = arith.cmpi eq, %iota3A, %eq3A_53 : vector<16xi32>
    %jit3A_55 = arith.constant 0.000000e+00 : f32
    %broadcast_in_dim3A_56 = vector.broadcast %jit3A_55 : f32 to vector<16xf32>
    %select_n3A_57 = arith.select %eq3A_54, %get3A_16, %broadcast_in_dim3A_56 : vector<16xi1>, vector<16xf32>
    %reduce_sum3A_58 = arith.constant true
    %reduce_sum3A_59 = vector.broadcast %reduce_sum3A_58 : i1 to vector<16xi1>
    %reduce_sum3A_60 = tpu.scan <sum>, %select_n3A_57 masked %reduce_sum3A_59 : vector<16xf32>, vector<16xi1> -> vector<16xf32>
    %reduce_sum3A_61 = vector.extract %reduce_sum3A_60[15] : f32 from vector<16xf32>
    %mul3A_62 = arith.constant -39.4784164 : f32
    %mul3A_63 = arith.mulf %mul3A_62, %reduce_sum3A_61 : f32
    %broadcast_in_dim3A_64 = vector.broadcast %mul3A_63 : f32 to vector<16xf32>
    %eq3A_65 = arith.constant 12 : i32
    %eq3A_66 = vector.broadcast %eq3A_65 : i32 to vector<16xi32>
    %eq3A_67 = arith.cmpi eq, %iota3A, %eq3A_66 : vector<16xi32>
    %jit3A_68 = arith.constant 0.000000e+00 : f32
    %broadcast_in_dim3A_69 = vector.broadcast %jit3A_68 : f32 to vector<16xf32>
    %select_n3A_70 = arith.select %eq3A_67, %get3A_16, %broadcast_in_dim3A_69 : vector<16xi1>, vector<16xf32>
    %reduce_sum3A_71 = arith.constant true
    %reduce_sum3A_72 = vector.broadcast %reduce_sum3A_71 : i1 to vector<16xi1>
    %reduce_sum3A_73 = tpu.scan <sum>, %select_n3A_70 masked %reduce_sum3A_72 : vector<16xf32>, vector<16xi1> -> vector<16xf32>
    %reduce_sum3A_74 = vector.extract %reduce_sum3A_73[15] : f32 from vector<16xf32>
    %mul3A_75 = arith.constant -39.4784164 : f32
    %mul3A_76 = arith.mulf %mul3A_75, %reduce_sum3A_74 : f32
    %broadcast_in_dim3A_77 = vector.broadcast %mul3A_76 : f32 to vector<16xf32>
    %eq3A_78 = arith.constant 13 : i32
    %eq3A_79 = vector.broadcast %eq3A_78 : i32 to vector<16xi32>
    %eq3A_80 = arith.cmpi eq, %iota3A, %eq3A_79 : vector<16xi32>
    %jit3A_81 = arith.constant 0.000000e+00 : f32
    %broadcast_in_dim3A_82 = vector.broadcast %jit3A_81 : f32 to vector<16xf32>
    %select_n3A_83 = arith.select %eq3A_80, %get3A_16, %broadcast_in_dim3A_82 : vector<16xi1>, vector<16xf32>
    %reduce_sum3A_84 = arith.constant true
    %reduce_sum3A_85 = vector.broadcast %reduce_sum3A_84 : i1 to vector<16xi1>
    %reduce_sum3A_86 = tpu.scan <sum>, %select_n3A_83 masked %reduce_sum3A_85 : vector<16xf32>, vector<16xi1> -> vector<16xf32>
    %reduce_sum3A_87 = vector.extract %reduce_sum3A_86[15] : f32 from vector<16xf32>
    %mul3A_88 = arith.constant -39.4784164 : f32
    %mul3A_89 = arith.mulf %mul3A_88, %reduce_sum3A_87 : f32
    %broadcast_in_dim3A_90 = vector.broadcast %mul3A_89 : f32 to vector<16xf32>
    %add3A_91 = arith.constant 0 : i32
    %add3A_92 = arith.addi %add3A, %add3A_91 : i32
    %lt3A = arith.constant 625 : i32
    %lt3A_93 = arith.cmpi slt, %add3A_92, %lt3A : i32
    %sub3A = arith.constant 32 : i32
    %sub3A_94 = arith.subi %add3A_92, %sub3A : i32
    %select_n3A_95 = arith.select %lt3A_93, %add3A_92, %sub3A_94 : i32
    %mul3A_96 = arith.constant 3200 : i32
    %mul3A_97 = arith.muli %select_n3A_95, %mul3A_96 : i32
    %dma_start3A = tpu.memref_slice %arg2[%mul3A_97] : memref<2000000xf32, #tpu.memory_space<hbm>> -> memref<3200xf32, #tpu.memory_space<hbm>>
    %dma_start3A_98 = tpu.memref_slice %arg2[%mul3A_97] : memref<2000000xf32, #tpu.memory_space<hbm>> -> memref<3200xf32, #tpu.memory_space<hbm>>
    tpu.enqueue_dma source(%dma_start3A_98 : memref<3200xf32, #tpu.memory_space<hbm>>) target(%arg8 : memref<3200xf32, #tpu.memory_space<vmem>>) target_semaphore(%arg12 : memref<!tpu.dma_semaphore, #tpu.memory_space<semaphore_mem>>)
    %dma_start3A_99 = tpu.memref_slice %arg4[%mul3A_97] : memref<2000000xi32, #tpu.memory_space<hbm>> -> memref<3200xi32, #tpu.memory_space<hbm>>
    %dma_start3A_100 = tpu.memref_slice %arg4[%mul3A_97] : memref<2000000xi32, #tpu.memory_space<hbm>> -> memref<3200xi32, #tpu.memory_space<hbm>>
    tpu.enqueue_dma source(%dma_start3A_100 : memref<3200xi32, #tpu.memory_space<hbm>>) target(%arg9 : memref<3200xi32, #tpu.memory_space<vmem>>) target_semaphore(%arg12 : memref<!tpu.dma_semaphore, #tpu.memory_space<semaphore_mem>>)
    %dma_start3A_101 = arith.constant 0 : i32
    %dma_start3A_102 = tpu.memref_slice %arg3[%dma_start3A_101, %mul3A_97] : memref<3x2000000xf32, #tpu.memory_space<hbm>> -> memref<3x3200xf32, #tpu.memory_space<hbm>>
    %dma_start3A_103 = arith.constant 0 : i32
    %dma_start3A_104 = tpu.memref_slice %arg3[%dma_start3A_103, %mul3A_97] : memref<3x2000000xf32, #tpu.memory_space<hbm>> -> memref<3x3200xf32, #tpu.memory_space<hbm>>
    tpu.enqueue_dma source(%dma_start3A_104 : memref<3x3200xf32, #tpu.memory_space<hbm>>) target(%arg10 : memref<3x3200xf32, #tpu.memory_space<vmem>>) target_semaphore(%arg12 : memref<!tpu.dma_semaphore, #tpu.memory_space<semaphore_mem>>)
    %add3A_105 = arith.constant 32 : i32
    %add3A_106 = arith.addi %add3A, %add3A_105 : i32
    %lt3A_107 = arith.constant 625 : i32
    %lt3A_108 = arith.cmpi slt, %add3A_106, %lt3A_107 : i32
    %sub3A_109 = arith.constant 32 : i32
    %sub3A_110 = arith.subi %add3A_106, %sub3A_109 : i32
    %select_n3A_111 = arith.select %lt3A_108, %add3A_106, %sub3A_110 : i32
    %mul3A_112 = arith.constant 3200 : i32
    %mul3A_113 = arith.muli %select_n3A_111, %mul3A_112 : i32
    %dma_start3A_114 = tpu.memref_slice %arg2[%mul3A_113] : memref<2000000xf32, #tpu.memory_space<hbm>> -> memref<3200xf32, #tpu.memory_space<hbm>>
    %dma_start3A_115 = tpu.memref_slice %arg2[%mul3A_113] : memref<2000000xf32, #tpu.memory_space<hbm>> -> memref<3200xf32, #tpu.memory_space<hbm>>
    tpu.enqueue_dma source(%dma_start3A_115 : memref<3200xf32, #tpu.memory_space<hbm>>) target(%arg14 : memref<3200xf32, #tpu.memory_space<vmem>>) target_semaphore(%arg18 : memref<!tpu.dma_semaphore, #tpu.memory_space<semaphore_mem>>)
    %dma_start3A_116 = tpu.memref_slice %arg4[%mul3A_113] : memref<2000000xi32, #tpu.memory_space<hbm>> -> memref<3200xi32, #tpu.memory_space<hbm>>
    %dma_start3A_117 = tpu.memref_slice %arg4[%mul3A_113] : memref<2000000xi32, #tpu.memory_space<hbm>> -> memref<3200xi32, #tpu.memory_space<hbm>>
    tpu.enqueue_dma source(%dma_start3A_117 : memref<3200xi32, #tpu.memory_space<hbm>>) target(%arg15 : memref<3200xi32, #tpu.memory_space<vmem>>) target_semaphore(%arg18 : memref<!tpu.dma_semaphore, #tpu.memory_space<semaphore_mem>>)
    %dma_start3A_118 = arith.constant 0 : i32
    %dma_start3A_119 = tpu.memref_slice %arg3[%dma_start3A_118, %mul3A_113] : memref<3x2000000xf32, #tpu.memory_space<hbm>> -> memref<3x3200xf32, #tpu.memory_space<hbm>>
    %dma_start3A_120 = arith.constant 0 : i32
    %dma_start3A_121 = tpu.memref_slice %arg3[%dma_start3A_120, %mul3A_113] : memref<3x2000000xf32, #tpu.memory_space<hbm>> -> memref<3x3200xf32, #tpu.memory_space<hbm>>
    tpu.enqueue_dma source(%dma_start3A_121 : memref<3x3200xf32, #tpu.memory_space<hbm>>) target(%arg16 : memref<3x3200xf32, #tpu.memory_space<vmem>>) target_semaphore(%arg18 : memref<!tpu.dma_semaphore, #tpu.memory_space<semaphore_mem>>)
    %add3A_122 = arith.constant 64 : i32
    %add3A_123 = arith.addi %add3A, %add3A_122 : i32
    %lt3A_124 = arith.constant 625 : i32
    %lt3A_125 = arith.cmpi slt, %add3A_123, %lt3A_124 : i32
    %sub3A_126 = arith.constant 32 : i32
    %sub3A_127 = arith.subi %add3A_123, %sub3A_126 : i32
    %select_n3A_128 = arith.select %lt3A_125, %add3A_123, %sub3A_127 : i32
    %mul3A_129 = arith.constant 3200 : i32
    %mul3A_130 = arith.muli %select_n3A_128, %mul3A_129 : i32
    %dma_start3A_131 = tpu.memref_slice %arg2[%mul3A_130] : memref<2000000xf32, #tpu.memory_space<hbm>> -> memref<3200xf32, #tpu.memory_space<hbm>>
    %dma_start3A_132 = tpu.memref_slice %arg2[%mul3A_130] : memref<2000000xf32, #tpu.memory_space<hbm>> -> memref<3200xf32, #tpu.memory_space<hbm>>
    tpu.enqueue_dma source(%dma_start3A_132 : memref<3200xf32, #tpu.memory_space<hbm>>) target(%arg20 : memref<3200xf32, #tpu.memory_space<vmem>>) target_semaphore(%arg24 : memref<!tpu.dma_semaphore, #tpu.memory_space<semaphore_mem>>)
    %dma_start3A_133 = tpu.memref_slice %arg4[%mul3A_130] : memref<2000000xi32, #tpu.memory_space<hbm>> -> memref<3200xi32, #tpu.memory_space<hbm>>
    %dma_start3A_134 = tpu.memref_slice %arg4[%mul3A_130] : memref<2000000xi32, #tpu.memory_space<hbm>> -> memref<3200xi32, #tpu.memory_space<hbm>>
    tpu.enqueue_dma source(%dma_start3A_134 : memref<3200xi32, #tpu.memory_space<hbm>>) target(%arg21 : memref<3200xi32, #tpu.memory_space<vmem>>) target_semaphore(%arg24 : memref<!tpu.dma_semaphore, #tpu.memory_space<semaphore_mem>>)
    %dma_start3A_135 = arith.constant 0 : i32
    %dma_start3A_136 = tpu.memref_slice %arg3[%dma_start3A_135, %mul3A_130] : memref<3x2000000xf32, #tpu.memory_space<hbm>> -> memref<3x3200xf32, #tpu.memory_space<hbm>>
    %dma_start3A_137 = arith.constant 0 : i32
    %dma_start3A_138 = tpu.memref_slice %arg3[%dma_start3A_137, %mul3A_130] : memref<3x2000000xf32, #tpu.memory_space<hbm>> -> memref<3x3200xf32, #tpu.memory_space<hbm>>
    tpu.enqueue_dma source(%dma_start3A_138 : memref<3x3200xf32, #tpu.memory_space<hbm>>) target(%arg22 : memref<3x3200xf32, #tpu.memory_space<vmem>>) target_semaphore(%arg24 : memref<!tpu.dma_semaphore, #tpu.memory_space<semaphore_mem>>)
    %add3A_139 = arith.constant 96 : i32
    %add3A_140 = arith.addi %add3A, %add3A_139 : i32
    %lt3A_141 = arith.constant 625 : i32
    %lt3A_142 = arith.cmpi slt, %add3A_140, %lt3A_141 : i32
    %sub3A_143 = arith.constant 32 : i32
    %sub3A_144 = arith.subi %add3A_140, %sub3A_143 : i32
    %select_n3A_145 = arith.select %lt3A_142, %add3A_140, %sub3A_144 : i32
    %mul3A_146 = arith.constant 3200 : i32
    %mul3A_147 = arith.muli %select_n3A_145, %mul3A_146 : i32
    %dma_start3A_148 = tpu.memref_slice %arg2[%mul3A_147] : memref<2000000xf32, #tpu.memory_space<hbm>> -> memref<3200xf32, #tpu.memory_space<hbm>>
    %dma_start3A_149 = tpu.memref_slice %arg2[%mul3A_147] : memref<2000000xf32, #tpu.memory_space<hbm>> -> memref<3200xf32, #tpu.memory_space<hbm>>
    tpu.enqueue_dma source(%dma_start3A_149 : memref<3200xf32, #tpu.memory_space<hbm>>) target(%arg26 : memref<3200xf32, #tpu.memory_space<vmem>>) target_semaphore(%arg30 : memref<!tpu.dma_semaphore, #tpu.memory_space<semaphore_mem>>)
    %dma_start3A_150 = tpu.memref_slice %arg4[%mul3A_147] : memref<2000000xi32, #tpu.memory_space<hbm>> -> memref<3200xi32, #tpu.memory_space<hbm>>
    %dma_start3A_151 = tpu.memref_slice %arg4[%mul3A_147] : memref<2000000xi32, #tpu.memory_space<hbm>> -> memref<3200xi32, #tpu.memory_space<hbm>>
    tpu.enqueue_dma source(%dma_start3A_151 : memref<3200xi32, #tpu.memory_space<hbm>>) target(%arg27 : memref<3200xi32, #tpu.memory_space<vmem>>) target_semaphore(%arg30 : memref<!tpu.dma_semaphore, #tpu.memory_space<semaphore_mem>>)
    %dma_start3A_152 = arith.constant 0 : i32
    %dma_start3A_153 = tpu.memref_slice %arg3[%dma_start3A_152, %mul3A_147] : memref<3x2000000xf32, #tpu.memory_space<hbm>> -> memref<3x3200xf32, #tpu.memory_space<hbm>>
    %dma_start3A_154 = arith.constant 0 : i32
    %dma_start3A_155 = tpu.memref_slice %arg3[%dma_start3A_154, %mul3A_147] : memref<3x2000000xf32, #tpu.memory_space<hbm>> -> memref<3x3200xf32, #tpu.memory_space<hbm>>
    tpu.enqueue_dma source(%dma_start3A_155 : memref<3x3200xf32, #tpu.memory_space<hbm>>) target(%arg28 : memref<3x3200xf32, #tpu.memory_space<vmem>>) target_semaphore(%arg30 : memref<!tpu.dma_semaphore, #tpu.memory_space<semaphore_mem>>)
    %scan3A = arith.constant 0 : i32
    %scan3A_156 = arith.constant 5 : i32
    %scan3A_157 = arith.addi %scan3A, %scan3A_156 : i32
    %scan3A_158 = arith.constant 1 : i32
    scf.for %scan3A_175 = %scan3A to %scan3A_157 step %scan3A_158  : i32 {
      %mul3A_176 = arith.constant 4 : i32
      %mul3A_177 = arith.muli %scan3A_175, %mul3A_176 : i32
      %add3A_178 = arith.constant 0 : i32
      %add3A_179 = arith.addi %add3A_178, %mul3A_177 : i32
      %add3A_180 = arith.constant 0 : i32
      %add3A_181 = arith.addi %add3A_179, %add3A_180 : i32
      %dma_wait3A_182 = arith.constant 0 : i32
      %dma_wait3A_183 = tpu.memref_slice %arg2[%dma_wait3A_182] : memref<2000000xf32, #tpu.memory_space<hbm>> -> memref<3200xf32, #tpu.memory_space<hbm>>
      %dma_wait3A_184 = arith.constant 0 : i32
      %dma_wait3A_185 = tpu.memref_slice %arg2[%dma_wait3A_184] : memref<2000000xf32, #tpu.memory_space<hbm>> -> memref<3200xf32, #tpu.memory_space<hbm>>
      tpu.wait_dma2 semaphore(%arg12 : memref<!tpu.dma_semaphore, #tpu.memory_space<semaphore_mem>>) src(%dma_wait3A_185 : memref<3200xf32, #tpu.memory_space<hbm>>) dst(%arg8 : memref<3200xf32, #tpu.memory_space<vmem>>)
      %dma_wait3A_186 = arith.constant 0 : i32
      %dma_wait3A_187 = tpu.memref_slice %arg4[%dma_wait3A_186] : memref<2000000xi32, #tpu.memory_space<hbm>> -> memref<3200xi32, #tpu.memory_space<hbm>>
      %dma_wait3A_188 = arith.constant 0 : i32
      %dma_wait3A_189 = tpu.memref_slice %arg4[%dma_wait3A_188] : memref<2000000xi32, #tpu.memory_space<hbm>> -> memref<3200xi32, #tpu.memory_space<hbm>>
      tpu.wait_dma2 semaphore(%arg12 : memref<!tpu.dma_semaphore, #tpu.memory_space<semaphore_mem>>) src(%dma_wait3A_189 : memref<3200xi32, #tpu.memory_space<hbm>>) dst(%arg9 : memref<3200xi32, #tpu.memory_space<vmem>>)
      %dma_wait3A_190 = arith.constant 0 : i32
      %dma_wait3A_191 = arith.constant 0 : i32
      %dma_wait3A_192 = tpu.memref_slice %arg3[%dma_wait3A_190, %dma_wait3A_191] : memref<3x2000000xf32, #tpu.memory_space<hbm>> -> memref<3x3200xf32, #tpu.memory_space<hbm>>
      %dma_wait3A_193 = arith.constant 0 : i32
      %dma_wait3A_194 = arith.constant 0 : i32
      %dma_wait3A_195 = tpu.memref_slice %arg3[%dma_wait3A_193, %dma_wait3A_194] : memref<3x2000000xf32, #tpu.memory_space<hbm>> -> memref<3x3200xf32, #tpu.memory_space<hbm>>
      tpu.wait_dma2 semaphore(%arg12 : memref<!tpu.dma_semaphore, #tpu.memory_space<semaphore_mem>>) src(%dma_wait3A_195 : memref<3x3200xf32, #tpu.memory_space<hbm>>) dst(%arg10 : memref<3x3200xf32, #tpu.memory_space<vmem>>)
      %ge3A = arith.constant 4 : i32
      %ge3A_196 = arith.cmpi sge, %add3A_181, %ge3A : i32
      %convert_element_type3A = arith.extui %ge3A_196 : i1 to i32
      %cond3A = arith.constant 0 : i32
      %cond3A_197 = arith.cmpi ne, %convert_element_type3A, %cond3A : i32
      scf.if %cond3A_197 {
        %dma_wait3A_348 = arith.constant 0 : i32
        %dma_wait3A_349 = tpu.memref_slice %arg7[%dma_wait3A_348] : memref<2000000xf32, #tpu.memory_space<hbm>> -> memref<3200xf32, #tpu.memory_space<hbm>>
        %dma_wait3A_350 = arith.constant 0 : i32
        %dma_wait3A_351 = tpu.memref_slice %arg7[%dma_wait3A_350] : memref<2000000xf32, #tpu.memory_space<hbm>> -> memref<3200xf32, #tpu.memory_space<hbm>>
        tpu.wait_dma2 semaphore(%arg13 : memref<!tpu.dma_semaphore, #tpu.memory_space<semaphore_mem>>) src(%arg11 : memref<3200xf32, #tpu.memory_space<vmem>>) dst(%dma_wait3A_351 : memref<3200xf32, #tpu.memory_space<hbm>>)
      } else {
      }
      %parallel_loop3A = arith.constant 0 : i32
      %parallel_loop3A_198 = arith.constant 3200 : i32
      %parallel_loop3A_199 = arith.constant 16 : i32
      scf.for %parallel_loop3A_348 = %parallel_loop3A to %parallel_loop3A_198 step %parallel_loop3A_199  : i32 {
        %parallel_loop3A_349 = arith.constant 0 : i32
        %parallel_loop3A_350 = arith.index_cast %parallel_loop3A_349 : i32 to index
        %parallel_loop3A_351 = arith.index_cast %parallel_loop3A_348 : i32 to index
        %parallel_loop3A_352 = tpu.vector_load %arg10[%parallel_loop3A_350, %parallel_loop3A_351] {strides = array<i32>} : memref<3x3200xf32, #tpu.memory_space<vmem>>, vector<16xf32>,
        %parallel_loop3A_353 = arith.constant 1 : i32
        %parallel_loop3A_354 = arith.index_cast %parallel_loop3A_353 : i32 to index
        %parallel_loop3A_355 = arith.index_cast %parallel_loop3A_348 : i32 to index
        %parallel_loop3A_356 = tpu.vector_load %arg10[%parallel_loop3A_354, %parallel_loop3A_355] {strides = array<i32>} : memref<3x3200xf32, #tpu.memory_space<vmem>>, vector<16xf32>,
        %parallel_loop3A_357 = arith.constant 2 : i32
        %parallel_loop3A_358 = arith.index_cast %parallel_loop3A_357 : i32 to index
        %parallel_loop3A_359 = arith.index_cast %parallel_loop3A_348 : i32 to index
        %parallel_loop3A_360 = tpu.vector_load %arg10[%parallel_loop3A_358, %parallel_loop3A_359] {strides = array<i32>} : memref<3x3200xf32, #tpu.memory_space<vmem>>, vector<16xf32>,
        %parallel_loop3A_361 = arith.index_cast %parallel_loop3A_348 : i32 to index
        %parallel_loop3A_362 = tpu.vector_load %arg9[%parallel_loop3A_361] {strides = array<i32>} : memref<3200xi32, #tpu.memory_space<vmem>>, vector<16xi32>,
        %parallel_loop3A_363 = tpu.vector_load_idx %arg32[%parallel_loop3A_362] : memref<32xf32, #tpu.memory_space<vmem>>[vector<16xi32>], vector<16xf32>,
        %parallel_loop3A_364 = arith.index_cast %parallel_loop3A_348 : i32 to index
        %parallel_loop3A_365 = tpu.vector_load %arg8[%parallel_loop3A_364] {strides = array<i32>} : memref<3200xf32, #tpu.memory_space<vmem>>, vector<16xf32>,
        %parallel_loop3A_366 = arith.mulf %broadcast_in_dim3A_25, %parallel_loop3A_352 : vector<16xf32>
        %parallel_loop3A_367 = arith.mulf %broadcast_in_dim3A_64, %parallel_loop3A_356 : vector<16xf32>
        %parallel_loop3A_368 = arith.addf %parallel_loop3A_366, %parallel_loop3A_367 : vector<16xf32>
        %parallel_loop3A_369 = arith.mulf %broadcast_in_dim3A_77, %parallel_loop3A_360 : vector<16xf32>
        %parallel_loop3A_370 = arith.addf %parallel_loop3A_368, %parallel_loop3A_369 : vector<16xf32>
        %parallel_loop3A_371 = arith.mulf %broadcast_in_dim3A_38, %parallel_loop3A_356 : vector<16xf32>
        %parallel_loop3A_372 = arith.mulf %broadcast_in_dim3A_90, %parallel_loop3A_360 : vector<16xf32>
        %parallel_loop3A_373 = arith.addf %parallel_loop3A_371, %parallel_loop3A_372 : vector<16xf32>
        %parallel_loop3A_374 = arith.mulf %parallel_loop3A_352, %parallel_loop3A_370 : vector<16xf32>
        %parallel_loop3A_375 = arith.mulf %parallel_loop3A_356, %parallel_loop3A_373 : vector<16xf32>
        %parallel_loop3A_376 = arith.addf %parallel_loop3A_374, %parallel_loop3A_375 : vector<16xf32>
        %parallel_loop3A_377 = arith.mulf %parallel_loop3A_360, %parallel_loop3A_360 : vector<16xf32>
        %parallel_loop3A_378 = arith.mulf %broadcast_in_dim3A_51, %parallel_loop3A_377 : vector<16xf32>
        %parallel_loop3A_379 = arith.addf %parallel_loop3A_376, %parallel_loop3A_378 : vector<16xf32>
        %parallel_loop3A_380 = arith.mulf %parallel_loop3A_365, %parallel_loop3A_363 : vector<16xf32>
        %parallel_loop3A_381 = math.exp %parallel_loop3A_379 : vector<16xf32>
        %parallel_loop3A_382 = arith.mulf %parallel_loop3A_380, %parallel_loop3A_381 : vector<16xf32>
        %parallel_loop3A_383 = arith.index_cast %parallel_loop3A_348 : i32 to index
        %parallel_loop3A_384 = tpu.vector_load %arg11[%parallel_loop3A_383] {strides = array<i32>} : memref<3200xf32, #tpu.memory_space<vmem>>, vector<16xf32>,
        tpu.vector_store %arg11[%parallel_loop3A_383], %parallel_loop3A_382 {strides = array<i32>} : memref<3200xf32, #tpu.memory_space<vmem>>, vector<16xf32>,
      } {sc.loop_unroll_factor = 4 : i64, sc.parallel_access}
      %mul3A_200 = arith.constant 32 : i32
      %mul3A_201 = arith.muli %mul3A_200, %add3A_181 : i32
      %add3A_202 = arith.addi %add3A, %mul3A_201 : i32
      %lt3A_203 = arith.constant 625 : i32
      %lt3A_204 = arith.cmpi slt, %add3A_202, %lt3A_203 : i32
      %sub3A_205 = arith.constant 32 : i32
      %sub3A_206 = arith.subi %add3A_202, %sub3A_205 : i32
      %select_n3A_207 = arith.select %lt3A_204, %add3A_202, %sub3A_206 : i32
      %mul3A_208 = arith.constant 3200 : i32
      %mul3A_209 = arith.muli %select_n3A_207, %mul3A_208 : i32
      %dma_start3A_210 = tpu.memref_slice %arg7[%mul3A_209] : memref<2000000xf32, #tpu.memory_space<hbm>> -> memref<3200xf32, #tpu.memory_space<hbm>>
      %dma_start3A_211 = tpu.memref_slice %arg7[%mul3A_209] : memref<2000000xf32, #tpu.memory_space<hbm>> -> memref<3200xf32, #tpu.memory_space<hbm>>
      tpu.enqueue_dma source(%arg11 : memref<3200xf32, #tpu.memory_space<vmem>>) target(%dma_start3A_211 : memref<3200xf32, #tpu.memory_space<hbm>>) target_semaphore(%arg13 : memref<!tpu.dma_semaphore, #tpu.memory_space<semaphore_mem>>)
      %add3A_212 = arith.constant 4 : i32
      %add3A_213 = arith.addi %add3A_181, %add3A_212 : i32
      %lt3A_214 = arith.constant 20 : i32
      %lt3A_215 = arith.cmpi slt, %add3A_213, %lt3A_214 : i32
      %convert_element_type3A_216 = arith.extui %lt3A_215 : i1 to i32
      %cond3A_217 = arith.constant 0 : i32
      %cond3A_218 = arith.cmpi ne, %convert_element_type3A_216, %cond3A_217 : i32
      scf.if %cond3A_218 {
        %add3A_348 = arith.constant 4 : i32
        %add3A_349 = arith.addi %add3A_181, %add3A_348 : i32
        %mul3A_350 = arith.constant 32 : i32
        %mul3A_351 = arith.muli %mul3A_350, %add3A_349 : i32
        %add3A_352 = arith.addi %add3A, %mul3A_351 : i32
        %lt3A_353 = arith.constant 625 : i32
        %lt3A_354 = arith.cmpi slt, %add3A_352, %lt3A_353 : i32
        %sub3A_355 = arith.constant 32 : i32
        %sub3A_356 = arith.subi %add3A_352, %sub3A_355 : i32
        %select_n3A_357 = arith.select %lt3A_354, %add3A_352, %sub3A_356 : i32
        %mul3A_358 = arith.constant 3200 : i32
        %mul3A_359 = arith.muli %select_n3A_357, %mul3A_358 : i32
        %dma_start3A_360 = tpu.memref_slice %arg2[%mul3A_359] : memref<2000000xf32, #tpu.memory_space<hbm>> -> memref<3200xf32, #tpu.memory_space<hbm>>
        %dma_start3A_361 = tpu.memref_slice %arg2[%mul3A_359] : memref<2000000xf32, #tpu.memory_space<hbm>> -> memref<3200xf32, #tpu.memory_space<hbm>>
        tpu.enqueue_dma source(%dma_start3A_361 : memref<3200xf32, #tpu.memory_space<hbm>>) target(%arg8 : memref<3200xf32, #tpu.memory_space<vmem>>) target_semaphore(%arg12 : memref<!tpu.dma_semaphore, #tpu.memory_space<semaphore_mem>>)
        %dma_start3A_362 = tpu.memref_slice %arg4[%mul3A_359] : memref<2000000xi32, #tpu.memory_space<hbm>> -> memref<3200xi32, #tpu.memory_space<hbm>>
        %dma_start3A_363 = tpu.memref_slice %arg4[%mul3A_359] : memref<2000000xi32, #tpu.memory_space<hbm>> -> memref<3200xi32, #tpu.memory_space<hbm>>
        tpu.enqueue_dma source(%dma_start3A_363 : memref<3200xi32, #tpu.memory_space<hbm>>) target(%arg9 : memref<3200xi32, #tpu.memory_space<vmem>>) target_semaphore(%arg12 : memref<!tpu.dma_semaphore, #tpu.memory_space<semaphore_mem>>)
        %dma_start3A_364 = arith.constant 0 : i32
        %dma_start3A_365 = tpu.memref_slice %arg3[%dma_start3A_364, %mul3A_359] : memref<3x2000000xf32, #tpu.memory_space<hbm>> -> memref<3x3200xf32, #tpu.memory_space<hbm>>
        %dma_start3A_366 = arith.constant 0 : i32
        %dma_start3A_367 = tpu.memref_slice %arg3[%dma_start3A_366, %mul3A_359] : memref<3x2000000xf32, #tpu.memory_space<hbm>> -> memref<3x3200xf32, #tpu.memory_space<hbm>>
        tpu.enqueue_dma source(%dma_start3A_367 : memref<3x3200xf32, #tpu.memory_space<hbm>>) target(%arg10 : memref<3x3200xf32, #tpu.memory_space<vmem>>) target_semaphore(%arg12 : memref<!tpu.dma_semaphore, #tpu.memory_space<semaphore_mem>>)
      } else {
      }
      %add3A_219 = arith.constant 1 : i32
      %add3A_220 = arith.addi %add3A_179, %add3A_219 : i32
      %dma_wait3A_221 = arith.constant 0 : i32
      %dma_wait3A_222 = tpu.memref_slice %arg2[%dma_wait3A_221] : memref<2000000xf32, #tpu.memory_space<hbm>> -> memref<3200xf32, #tpu.memory_space<hbm>>
      %dma_wait3A_223 = arith.constant 0 : i32
      %dma_wait3A_224 = tpu.memref_slice %arg2[%dma_wait3A_223] : memref<2000000xf32, #tpu.memory_space<hbm>> -> memref<3200xf32, #tpu.memory_space<hbm>>
      tpu.wait_dma2 semaphore(%arg18 : memref<!tpu.dma_semaphore, #tpu.memory_space<semaphore_mem>>) src(%dma_wait3A_224 : memref<3200xf32, #tpu.memory_space<hbm>>) dst(%arg14 : memref<3200xf32, #tpu.memory_space<vmem>>)
      %dma_wait3A_225 = arith.constant 0 : i32
      %dma_wait3A_226 = tpu.memref_slice %arg4[%dma_wait3A_225] : memref<2000000xi32, #tpu.memory_space<hbm>> -> memref<3200xi32, #tpu.memory_space<hbm>>
      %dma_wait3A_227 = arith.constant 0 : i32
      %dma_wait3A_228 = tpu.memref_slice %arg4[%dma_wait3A_227] : memref<2000000xi32, #tpu.memory_space<hbm>> -> memref<3200xi32, #tpu.memory_space<hbm>>
      tpu.wait_dma2 semaphore(%arg18 : memref<!tpu.dma_semaphore, #tpu.memory_space<semaphore_mem>>) src(%dma_wait3A_228 : memref<3200xi32, #tpu.memory_space<hbm>>) dst(%arg15 : memref<3200xi32, #tpu.memory_space<vmem>>)
      %dma_wait3A_229 = arith.constant 0 : i32
      %dma_wait3A_230 = arith.constant 0 : i32
      %dma_wait3A_231 = tpu.memref_slice %arg3[%dma_wait3A_229, %dma_wait3A_230] : memref<3x2000000xf32, #tpu.memory_space<hbm>> -> memref<3x3200xf32, #tpu.memory_space<hbm>>
      %dma_wait3A_232 = arith.constant 0 : i32
      %dma_wait3A_233 = arith.constant 0 : i32
      %dma_wait3A_234 = tpu.memref_slice %arg3[%dma_wait3A_232, %dma_wait3A_233] : memref<3x2000000xf32, #tpu.memory_space<hbm>> -> memref<3x3200xf32, #tpu.memory_space<hbm>>
      tpu.wait_dma2 semaphore(%arg18 : memref<!tpu.dma_semaphore, #tpu.memory_space<semaphore_mem>>) src(%dma_wait3A_234 : memref<3x3200xf32, #tpu.memory_space<hbm>>) dst(%arg16 : memref<3x3200xf32, #tpu.memory_space<vmem>>)
      %ge3A_235 = arith.constant 4 : i32
      %ge3A_236 = arith.cmpi sge, %add3A_220, %ge3A_235 : i32
      %convert_element_type3A_237 = arith.extui %ge3A_236 : i1 to i32
      %cond3A_238 = arith.constant 0 : i32
      %cond3A_239 = arith.cmpi ne, %convert_element_type3A_237, %cond3A_238 : i32
      scf.if %cond3A_239 {
        %dma_wait3A_348 = arith.constant 0 : i32
        %dma_wait3A_349 = tpu.memref_slice %arg7[%dma_wait3A_348] : memref<2000000xf32, #tpu.memory_space<hbm>> -> memref<3200xf32, #tpu.memory_space<hbm>>
        %dma_wait3A_350 = arith.constant 0 : i32
        %dma_wait3A_351 = tpu.memref_slice %arg7[%dma_wait3A_350] : memref<2000000xf32, #tpu.memory_space<hbm>> -> memref<3200xf32, #tpu.memory_space<hbm>>
        tpu.wait_dma2 semaphore(%arg19 : memref<!tpu.dma_semaphore, #tpu.memory_space<semaphore_mem>>) src(%arg17 : memref<3200xf32, #tpu.memory_space<vmem>>) dst(%dma_wait3A_351 : memref<3200xf32, #tpu.memory_space<hbm>>)
      } else {
      }
      %parallel_loop3A_240 = arith.constant 0 : i32
      %parallel_loop3A_241 = arith.constant 3200 : i32
      %parallel_loop3A_242 = arith.constant 16 : i32
      scf.for %parallel_loop3A_348 = %parallel_loop3A_240 to %parallel_loop3A_241 step %parallel_loop3A_242  : i32 {
        %parallel_loop3A_349 = arith.constant 0 : i32
        %parallel_loop3A_350 = arith.index_cast %parallel_loop3A_349 : i32 to index
        %parallel_loop3A_351 = arith.index_cast %parallel_loop3A_348 : i32 to index
        %parallel_loop3A_352 = tpu.vector_load %arg16[%parallel_loop3A_350, %parallel_loop3A_351] {strides = array<i32>} : memref<3x3200xf32, #tpu.memory_space<vmem>>, vector<16xf32>,
        %parallel_loop3A_353 = arith.constant 1 : i32
        %parallel_loop3A_354 = arith.index_cast %parallel_loop3A_353 : i32 to index
        %parallel_loop3A_355 = arith.index_cast %parallel_loop3A_348 : i32 to index
        %parallel_loop3A_356 = tpu.vector_load %arg16[%parallel_loop3A_354, %parallel_loop3A_355] {strides = array<i32>} : memref<3x3200xf32, #tpu.memory_space<vmem>>, vector<16xf32>,
        %parallel_loop3A_357 = arith.constant 2 : i32
        %parallel_loop3A_358 = arith.index_cast %parallel_loop3A_357 : i32 to index
        %parallel_loop3A_359 = arith.index_cast %parallel_loop3A_348 : i32 to index
        %parallel_loop3A_360 = tpu.vector_load %arg16[%parallel_loop3A_358, %parallel_loop3A_359] {strides = array<i32>} : memref<3x3200xf32, #tpu.memory_space<vmem>>, vector<16xf32>,
        %parallel_loop3A_361 = arith.index_cast %parallel_loop3A_348 : i32 to index
        %parallel_loop3A_362 = tpu.vector_load %arg15[%parallel_loop3A_361] {strides = array<i32>} : memref<3200xi32, #tpu.memory_space<vmem>>, vector<16xi32>,
        %parallel_loop3A_363 = tpu.vector_load_idx %arg32[%parallel_loop3A_362] : memref<32xf32, #tpu.memory_space<vmem>>[vector<16xi32>], vector<16xf32>,
        %parallel_loop3A_364 = arith.index_cast %parallel_loop3A_348 : i32 to index
        %parallel_loop3A_365 = tpu.vector_load %arg14[%parallel_loop3A_364] {strides = array<i32>} : memref<3200xf32, #tpu.memory_space<vmem>>, vector<16xf32>,
        %parallel_loop3A_366 = arith.mulf %broadcast_in_dim3A_25, %parallel_loop3A_352 : vector<16xf32>
        %parallel_loop3A_367 = arith.mulf %broadcast_in_dim3A_64, %parallel_loop3A_356 : vector<16xf32>
        %parallel_loop3A_368 = arith.addf %parallel_loop3A_366, %parallel_loop3A_367 : vector<16xf32>
        %parallel_loop3A_369 = arith.mulf %broadcast_in_dim3A_77, %parallel_loop3A_360 : vector<16xf32>
        %parallel_loop3A_370 = arith.addf %parallel_loop3A_368, %parallel_loop3A_369 : vector<16xf32>
        %parallel_loop3A_371 = arith.mulf %broadcast_in_dim3A_38, %parallel_loop3A_356 : vector<16xf32>
        %parallel_loop3A_372 = arith.mulf %broadcast_in_dim3A_90, %parallel_loop3A_360 : vector<16xf32>
        %parallel_loop3A_373 = arith.addf %parallel_loop3A_371, %parallel_loop3A_372 : vector<16xf32>
        %parallel_loop3A_374 = arith.mulf %parallel_loop3A_352, %parallel_loop3A_370 : vector<16xf32>
        %parallel_loop3A_375 = arith.mulf %parallel_loop3A_356, %parallel_loop3A_373 : vector<16xf32>
        %parallel_loop3A_376 = arith.addf %parallel_loop3A_374, %parallel_loop3A_375 : vector<16xf32>
        %parallel_loop3A_377 = arith.mulf %parallel_loop3A_360, %parallel_loop3A_360 : vector<16xf32>
        %parallel_loop3A_378 = arith.mulf %broadcast_in_dim3A_51, %parallel_loop3A_377 : vector<16xf32>
        %parallel_loop3A_379 = arith.addf %parallel_loop3A_376, %parallel_loop3A_378 : vector<16xf32>
        %parallel_loop3A_380 = arith.mulf %parallel_loop3A_365, %parallel_loop3A_363 : vector<16xf32>
        %parallel_loop3A_381 = math.exp %parallel_loop3A_379 : vector<16xf32>
        %parallel_loop3A_382 = arith.mulf %parallel_loop3A_380, %parallel_loop3A_381 : vector<16xf32>
        %parallel_loop3A_383 = arith.index_cast %parallel_loop3A_348 : i32 to index
        %parallel_loop3A_384 = tpu.vector_load %arg17[%parallel_loop3A_383] {strides = array<i32>} : memref<3200xf32, #tpu.memory_space<vmem>>, vector<16xf32>,
        tpu.vector_store %arg17[%parallel_loop3A_383], %parallel_loop3A_382 {strides = array<i32>} : memref<3200xf32, #tpu.memory_space<vmem>>, vector<16xf32>,
      } {sc.loop_unroll_factor = 4 : i64, sc.parallel_access}
      %mul3A_243 = arith.constant 32 : i32
      %mul3A_244 = arith.muli %mul3A_243, %add3A_220 : i32
      %add3A_245 = arith.addi %add3A, %mul3A_244 : i32
      %lt3A_246 = arith.constant 625 : i32
      %lt3A_247 = arith.cmpi slt, %add3A_245, %lt3A_246 : i32
      %sub3A_248 = arith.constant 32 : i32
      %sub3A_249 = arith.subi %add3A_245, %sub3A_248 : i32
      %select_n3A_250 = arith.select %lt3A_247, %add3A_245, %sub3A_249 : i32
      %mul3A_251 = arith.constant 3200 : i32
      %mul3A_252 = arith.muli %select_n3A_250, %mul3A_251 : i32
      %dma_start3A_253 = tpu.memref_slice %arg7[%mul3A_252] : memref<2000000xf32, #tpu.memory_space<hbm>> -> memref<3200xf32, #tpu.memory_space<hbm>>
      %dma_start3A_254 = tpu.memref_slice %arg7[%mul3A_252] : memref<2000000xf32, #tpu.memory_space<hbm>> -> memref<3200xf32, #tpu.memory_space<hbm>>
      tpu.enqueue_dma source(%arg17 : memref<3200xf32, #tpu.memory_space<vmem>>) target(%dma_start3A_254 : memref<3200xf32, #tpu.memory_space<hbm>>) target_semaphore(%arg19 : memref<!tpu.dma_semaphore, #tpu.memory_space<semaphore_mem>>)
      %add3A_255 = arith.constant 4 : i32
      %add3A_256 = arith.addi %add3A_220, %add3A_255 : i32
      %lt3A_257 = arith.constant 20 : i32
      %lt3A_258 = arith.cmpi slt, %add3A_256, %lt3A_257 : i32
      %convert_element_type3A_259 = arith.extui %lt3A_258 : i1 to i32
      %cond3A_260 = arith.constant 0 : i32
      %cond3A_261 = arith.cmpi ne, %convert_element_type3A_259, %cond3A_260 : i32
      scf.if %cond3A_261 {
        %add3A_348 = arith.constant 4 : i32
        %add3A_349 = arith.addi %add3A_220, %add3A_348 : i32
        %mul3A_350 = arith.constant 32 : i32
        %mul3A_351 = arith.muli %mul3A_350, %add3A_349 : i32
        %add3A_352 = arith.addi %add3A, %mul3A_351 : i32
        %lt3A_353 = arith.constant 625 : i32
        %lt3A_354 = arith.cmpi slt, %add3A_352, %lt3A_353 : i32
        %sub3A_355 = arith.constant 32 : i32
        %sub3A_356 = arith.subi %add3A_352, %sub3A_355 : i32
        %select_n3A_357 = arith.select %lt3A_354, %add3A_352, %sub3A_356 : i32
        %mul3A_358 = arith.constant 3200 : i32
        %mul3A_359 = arith.muli %select_n3A_357, %mul3A_358 : i32
        %dma_start3A_360 = tpu.memref_slice %arg2[%mul3A_359] : memref<2000000xf32, #tpu.memory_space<hbm>> -> memref<3200xf32, #tpu.memory_space<hbm>>
        %dma_start3A_361 = tpu.memref_slice %arg2[%mul3A_359] : memref<2000000xf32, #tpu.memory_space<hbm>> -> memref<3200xf32, #tpu.memory_space<hbm>>
        tpu.enqueue_dma source(%dma_start3A_361 : memref<3200xf32, #tpu.memory_space<hbm>>) target(%arg14 : memref<3200xf32, #tpu.memory_space<vmem>>) target_semaphore(%arg18 : memref<!tpu.dma_semaphore, #tpu.memory_space<semaphore_mem>>)
        %dma_start3A_362 = tpu.memref_slice %arg4[%mul3A_359] : memref<2000000xi32, #tpu.memory_space<hbm>> -> memref<3200xi32, #tpu.memory_space<hbm>>
        %dma_start3A_363 = tpu.memref_slice %arg4[%mul3A_359] : memref<2000000xi32, #tpu.memory_space<hbm>> -> memref<3200xi32, #tpu.memory_space<hbm>>
        tpu.enqueue_dma source(%dma_start3A_363 : memref<3200xi32, #tpu.memory_space<hbm>>) target(%arg15 : memref<3200xi32, #tpu.memory_space<vmem>>) target_semaphore(%arg18 : memref<!tpu.dma_semaphore, #tpu.memory_space<semaphore_mem>>)
        %dma_start3A_364 = arith.constant 0 : i32
        %dma_start3A_365 = tpu.memref_slice %arg3[%dma_start3A_364, %mul3A_359] : memref<3x2000000xf32, #tpu.memory_space<hbm>> -> memref<3x3200xf32, #tpu.memory_space<hbm>>
        %dma_start3A_366 = arith.constant 0 : i32
        %dma_start3A_367 = tpu.memref_slice %arg3[%dma_start3A_366, %mul3A_359] : memref<3x2000000xf32, #tpu.memory_space<hbm>> -> memref<3x3200xf32, #tpu.memory_space<hbm>>
        tpu.enqueue_dma source(%dma_start3A_367 : memref<3x3200xf32, #tpu.memory_space<hbm>>) target(%arg16 : memref<3x3200xf32, #tpu.memory_space<vmem>>) target_semaphore(%arg18 : memref<!tpu.dma_semaphore, #tpu.memory_space<semaphore_mem>>)
      } else {
      }
      %add3A_262 = arith.constant 2 : i32
      %add3A_263 = arith.addi %add3A_179, %add3A_262 : i32
      %dma_wait3A_264 = arith.constant 0 : i32
      %dma_wait3A_265 = tpu.memref_slice %arg2[%dma_wait3A_264] : memref<2000000xf32, #tpu.memory_space<hbm>> -> memref<3200xf32, #tpu.memory_space<hbm>>
      %dma_wait3A_266 = arith.constant 0 : i32
      %dma_wait3A_267 = tpu.memref_slice %arg2[%dma_wait3A_266] : memref<2000000xf32, #tpu.memory_space<hbm>> -> memref<3200xf32, #tpu.memory_space<hbm>>
      tpu.wait_dma2 semaphore(%arg24 : memref<!tpu.dma_semaphore, #tpu.memory_space<semaphore_mem>>) src(%dma_wait3A_267 : memref<3200xf32, #tpu.memory_space<hbm>>) dst(%arg20 : memref<3200xf32, #tpu.memory_space<vmem>>)
      %dma_wait3A_268 = arith.constant 0 : i32
      %dma_wait3A_269 = tpu.memref_slice %arg4[%dma_wait3A_268] : memref<2000000xi32, #tpu.memory_space<hbm>> -> memref<3200xi32, #tpu.memory_space<hbm>>
      %dma_wait3A_270 = arith.constant 0 : i32
      %dma_wait3A_271 = tpu.memref_slice %arg4[%dma_wait3A_270] : memref<2000000xi32, #tpu.memory_space<hbm>> -> memref<3200xi32, #tpu.memory_space<hbm>>
      tpu.wait_dma2 semaphore(%arg24 : memref<!tpu.dma_semaphore, #tpu.memory_space<semaphore_mem>>) src(%dma_wait3A_271 : memref<3200xi32, #tpu.memory_space<hbm>>) dst(%arg21 : memref<3200xi32, #tpu.memory_space<vmem>>)
      %dma_wait3A_272 = arith.constant 0 : i32
      %dma_wait3A_273 = arith.constant 0 : i32
      %dma_wait3A_274 = tpu.memref_slice %arg3[%dma_wait3A_272, %dma_wait3A_273] : memref<3x2000000xf32, #tpu.memory_space<hbm>> -> memref<3x3200xf32, #tpu.memory_space<hbm>>
      %dma_wait3A_275 = arith.constant 0 : i32
      %dma_wait3A_276 = arith.constant 0 : i32
      %dma_wait3A_277 = tpu.memref_slice %arg3[%dma_wait3A_275, %dma_wait3A_276] : memref<3x2000000xf32, #tpu.memory_space<hbm>> -> memref<3x3200xf32, #tpu.memory_space<hbm>>
      tpu.wait_dma2 semaphore(%arg24 : memref<!tpu.dma_semaphore, #tpu.memory_space<semaphore_mem>>) src(%dma_wait3A_277 : memref<3x3200xf32, #tpu.memory_space<hbm>>) dst(%arg22 : memref<3x3200xf32, #tpu.memory_space<vmem>>)
      %ge3A_278 = arith.constant 4 : i32
      %ge3A_279 = arith.cmpi sge, %add3A_263, %ge3A_278 : i32
      %convert_element_type3A_280 = arith.extui %ge3A_279 : i1 to i32
      %cond3A_281 = arith.constant 0 : i32
      %cond3A_282 = arith.cmpi ne, %convert_element_type3A_280, %cond3A_281 : i32
      scf.if %cond3A_282 {
        %dma_wait3A_348 = arith.constant 0 : i32
        %dma_wait3A_349 = tpu.memref_slice %arg7[%dma_wait3A_348] : memref<2000000xf32, #tpu.memory_space<hbm>> -> memref<3200xf32, #tpu.memory_space<hbm>>
        %dma_wait3A_350 = arith.constant 0 : i32
        %dma_wait3A_351 = tpu.memref_slice %arg7[%dma_wait3A_350] : memref<2000000xf32, #tpu.memory_space<hbm>> -> memref<3200xf32, #tpu.memory_space<hbm>>
        tpu.wait_dma2 semaphore(%arg25 : memref<!tpu.dma_semaphore, #tpu.memory_space<semaphore_mem>>) src(%arg23 : memref<3200xf32, #tpu.memory_space<vmem>>) dst(%dma_wait3A_351 : memref<3200xf32, #tpu.memory_space<hbm>>)
      } else {
      }
      %parallel_loop3A_283 = arith.constant 0 : i32
      %parallel_loop3A_284 = arith.constant 3200 : i32
      %parallel_loop3A_285 = arith.constant 16 : i32
      scf.for %parallel_loop3A_348 = %parallel_loop3A_283 to %parallel_loop3A_284 step %parallel_loop3A_285  : i32 {
        %parallel_loop3A_349 = arith.constant 0 : i32
        %parallel_loop3A_350 = arith.index_cast %parallel_loop3A_349 : i32 to index
        %parallel_loop3A_351 = arith.index_cast %parallel_loop3A_348 : i32 to index
        %parallel_loop3A_352 = tpu.vector_load %arg22[%parallel_loop3A_350, %parallel_loop3A_351] {strides = array<i32>} : memref<3x3200xf32, #tpu.memory_space<vmem>>, vector<16xf32>,
        %parallel_loop3A_353 = arith.constant 1 : i32
        %parallel_loop3A_354 = arith.index_cast %parallel_loop3A_353 : i32 to index
        %parallel_loop3A_355 = arith.index_cast %parallel_loop3A_348 : i32 to index
        %parallel_loop3A_356 = tpu.vector_load %arg22[%parallel_loop3A_354, %parallel_loop3A_355] {strides = array<i32>} : memref<3x3200xf32, #tpu.memory_space<vmem>>, vector<16xf32>,
        %parallel_loop3A_357 = arith.constant 2 : i32
        %parallel_loop3A_358 = arith.index_cast %parallel_loop3A_357 : i32 to index
        %parallel_loop3A_359 = arith.index_cast %parallel_loop3A_348 : i32 to index
        %parallel_loop3A_360 = tpu.vector_load %arg22[%parallel_loop3A_358, %parallel_loop3A_359] {strides = array<i32>} : memref<3x3200xf32, #tpu.memory_space<vmem>>, vector<16xf32>,
        %parallel_loop3A_361 = arith.index_cast %parallel_loop3A_348 : i32 to index
        %parallel_loop3A_362 = tpu.vector_load %arg21[%parallel_loop3A_361] {strides = array<i32>} : memref<3200xi32, #tpu.memory_space<vmem>>, vector<16xi32>,
        %parallel_loop3A_363 = tpu.vector_load_idx %arg32[%parallel_loop3A_362] : memref<32xf32, #tpu.memory_space<vmem>>[vector<16xi32>], vector<16xf32>,
        %parallel_loop3A_364 = arith.index_cast %parallel_loop3A_348 : i32 to index
        %parallel_loop3A_365 = tpu.vector_load %arg20[%parallel_loop3A_364] {strides = array<i32>} : memref<3200xf32, #tpu.memory_space<vmem>>, vector<16xf32>,
        %parallel_loop3A_366 = arith.mulf %broadcast_in_dim3A_25, %parallel_loop3A_352 : vector<16xf32>
        %parallel_loop3A_367 = arith.mulf %broadcast_in_dim3A_64, %parallel_loop3A_356 : vector<16xf32>
        %parallel_loop3A_368 = arith.addf %parallel_loop3A_366, %parallel_loop3A_367 : vector<16xf32>
        %parallel_loop3A_369 = arith.mulf %broadcast_in_dim3A_77, %parallel_loop3A_360 : vector<16xf32>
        %parallel_loop3A_370 = arith.addf %parallel_loop3A_368, %parallel_loop3A_369 : vector<16xf32>
        %parallel_loop3A_371 = arith.mulf %broadcast_in_dim3A_38, %parallel_loop3A_356 : vector<16xf32>
        %parallel_loop3A_372 = arith.mulf %broadcast_in_dim3A_90, %parallel_loop3A_360 : vector<16xf32>
        %parallel_loop3A_373 = arith.addf %parallel_loop3A_371, %parallel_loop3A_372 : vector<16xf32>
        %parallel_loop3A_374 = arith.mulf %parallel_loop3A_352, %parallel_loop3A_370 : vector<16xf32>
        %parallel_loop3A_375 = arith.mulf %parallel_loop3A_356, %parallel_loop3A_373 : vector<16xf32>
        %parallel_loop3A_376 = arith.addf %parallel_loop3A_374, %parallel_loop3A_375 : vector<16xf32>
        %parallel_loop3A_377 = arith.mulf %parallel_loop3A_360, %parallel_loop3A_360 : vector<16xf32>
        %parallel_loop3A_378 = arith.mulf %broadcast_in_dim3A_51, %parallel_loop3A_377 : vector<16xf32>
        %parallel_loop3A_379 = arith.addf %parallel_loop3A_376, %parallel_loop3A_378 : vector<16xf32>
        %parallel_loop3A_380 = arith.mulf %parallel_loop3A_365, %parallel_loop3A_363 : vector<16xf32>
        %parallel_loop3A_381 = math.exp %parallel_loop3A_379 : vector<16xf32>
        %parallel_loop3A_382 = arith.mulf %parallel_loop3A_380, %parallel_loop3A_381 : vector<16xf32>
        %parallel_loop3A_383 = arith.index_cast %parallel_loop3A_348 : i32 to index
        %parallel_loop3A_384 = tpu.vector_load %arg23[%parallel_loop3A_383] {strides = array<i32>} : memref<3200xf32, #tpu.memory_space<vmem>>, vector<16xf32>,
        tpu.vector_store %arg23[%parallel_loop3A_383], %parallel_loop3A_382 {strides = array<i32>} : memref<3200xf32, #tpu.memory_space<vmem>>, vector<16xf32>,
      } {sc.loop_unroll_factor = 4 : i64, sc.parallel_access}
      %mul3A_286 = arith.constant 32 : i32
      %mul3A_287 = arith.muli %mul3A_286, %add3A_263 : i32
      %add3A_288 = arith.addi %add3A, %mul3A_287 : i32
      %lt3A_289 = arith.constant 625 : i32
      %lt3A_290 = arith.cmpi slt, %add3A_288, %lt3A_289 : i32
      %sub3A_291 = arith.constant 32 : i32
      %sub3A_292 = arith.subi %add3A_288, %sub3A_291 : i32
      %select_n3A_293 = arith.select %lt3A_290, %add3A_288, %sub3A_292 : i32
      %mul3A_294 = arith.constant 3200 : i32
      %mul3A_295 = arith.muli %select_n3A_293, %mul3A_294 : i32
      %dma_start3A_296 = tpu.memref_slice %arg7[%mul3A_295] : memref<2000000xf32, #tpu.memory_space<hbm>> -> memref<3200xf32, #tpu.memory_space<hbm>>
      %dma_start3A_297 = tpu.memref_slice %arg7[%mul3A_295] : memref<2000000xf32, #tpu.memory_space<hbm>> -> memref<3200xf32, #tpu.memory_space<hbm>>
      tpu.enqueue_dma source(%arg23 : memref<3200xf32, #tpu.memory_space<vmem>>) target(%dma_start3A_297 : memref<3200xf32, #tpu.memory_space<hbm>>) target_semaphore(%arg25 : memref<!tpu.dma_semaphore, #tpu.memory_space<semaphore_mem>>)
      %add3A_298 = arith.constant 4 : i32
      %add3A_299 = arith.addi %add3A_263, %add3A_298 : i32
      %lt3A_300 = arith.constant 20 : i32
      %lt3A_301 = arith.cmpi slt, %add3A_299, %lt3A_300 : i32
      %convert_element_type3A_302 = arith.extui %lt3A_301 : i1 to i32
      %cond3A_303 = arith.constant 0 : i32
      %cond3A_304 = arith.cmpi ne, %convert_element_type3A_302, %cond3A_303 : i32
      scf.if %cond3A_304 {
        %add3A_348 = arith.constant 4 : i32
        %add3A_349 = arith.addi %add3A_263, %add3A_348 : i32
        %mul3A_350 = arith.constant 32 : i32
        %mul3A_351 = arith.muli %mul3A_350, %add3A_349 : i32
        %add3A_352 = arith.addi %add3A, %mul3A_351 : i32
        %lt3A_353 = arith.constant 625 : i32
        %lt3A_354 = arith.cmpi slt, %add3A_352, %lt3A_353 : i32
        %sub3A_355 = arith.constant 32 : i32
        %sub3A_356 = arith.subi %add3A_352, %sub3A_355 : i32
        %select_n3A_357 = arith.select %lt3A_354, %add3A_352, %sub3A_356 : i32
        %mul3A_358 = arith.constant 3200 : i32
        %mul3A_359 = arith.muli %select_n3A_357, %mul3A_358 : i32
        %dma_start3A_360 = tpu.memref_slice %arg2[%mul3A_359] : memref<2000000xf32, #tpu.memory_space<hbm>> -> memref<3200xf32, #tpu.memory_space<hbm>>
        %dma_start3A_361 = tpu.memref_slice %arg2[%mul3A_359] : memref<2000000xf32, #tpu.memory_space<hbm>> -> memref<3200xf32, #tpu.memory_space<hbm>>
        tpu.enqueue_dma source(%dma_start3A_361 : memref<3200xf32, #tpu.memory_space<hbm>>) target(%arg20 : memref<3200xf32, #tpu.memory_space<vmem>>) target_semaphore(%arg24 : memref<!tpu.dma_semaphore, #tpu.memory_space<semaphore_mem>>)
        %dma_start3A_362 = tpu.memref_slice %arg4[%mul3A_359] : memref<2000000xi32, #tpu.memory_space<hbm>> -> memref<3200xi32, #tpu.memory_space<hbm>>
        %dma_start3A_363 = tpu.memref_slice %arg4[%mul3A_359] : memref<2000000xi32, #tpu.memory_space<hbm>> -> memref<3200xi32, #tpu.memory_space<hbm>>
        tpu.enqueue_dma source(%dma_start3A_363 : memref<3200xi32, #tpu.memory_space<hbm>>) target(%arg21 : memref<3200xi32, #tpu.memory_space<vmem>>) target_semaphore(%arg24 : memref<!tpu.dma_semaphore, #tpu.memory_space<semaphore_mem>>)
        %dma_start3A_364 = arith.constant 0 : i32
        %dma_start3A_365 = tpu.memref_slice %arg3[%dma_start3A_364, %mul3A_359] : memref<3x2000000xf32, #tpu.memory_space<hbm>> -> memref<3x3200xf32, #tpu.memory_space<hbm>>
        %dma_start3A_366 = arith.constant 0 : i32
        %dma_start3A_367 = tpu.memref_slice %arg3[%dma_start3A_366, %mul3A_359] : memref<3x2000000xf32, #tpu.memory_space<hbm>> -> memref<3x3200xf32, #tpu.memory_space<hbm>>
        tpu.enqueue_dma source(%dma_start3A_367 : memref<3x3200xf32, #tpu.memory_space<hbm>>) target(%arg22 : memref<3x3200xf32, #tpu.memory_space<vmem>>) target_semaphore(%arg24 : memref<!tpu.dma_semaphore, #tpu.memory_space<semaphore_mem>>)
      } else {
      }
      %add3A_305 = arith.constant 3 : i32
      %add3A_306 = arith.addi %add3A_179, %add3A_305 : i32
      %dma_wait3A_307 = arith.constant 0 : i32
      %dma_wait3A_308 = tpu.memref_slice %arg2[%dma_wait3A_307] : memref<2000000xf32, #tpu.memory_space<hbm>> -> memref<3200xf32, #tpu.memory_space<hbm>>
      %dma_wait3A_309 = arith.constant 0 : i32
      %dma_wait3A_310 = tpu.memref_slice %arg2[%dma_wait3A_309] : memref<2000000xf32, #tpu.memory_space<hbm>> -> memref<3200xf32, #tpu.memory_space<hbm>>
      tpu.wait_dma2 semaphore(%arg30 : memref<!tpu.dma_semaphore, #tpu.memory_space<semaphore_mem>>) src(%dma_wait3A_310 : memref<3200xf32, #tpu.memory_space<hbm>>) dst(%arg26 : memref<3200xf32, #tpu.memory_space<vmem>>)
      %dma_wait3A_311 = arith.constant 0 : i32
      %dma_wait3A_312 = tpu.memref_slice %arg4[%dma_wait3A_311] : memref<2000000xi32, #tpu.memory_space<hbm>> -> memref<3200xi32, #tpu.memory_space<hbm>>
      %dma_wait3A_313 = arith.constant 0 : i32
      %dma_wait3A_314 = tpu.memref_slice %arg4[%dma_wait3A_313] : memref<2000000xi32, #tpu.memory_space<hbm>> -> memref<3200xi32, #tpu.memory_space<hbm>>
      tpu.wait_dma2 semaphore(%arg30 : memref<!tpu.dma_semaphore, #tpu.memory_space<semaphore_mem>>) src(%dma_wait3A_314 : memref<3200xi32, #tpu.memory_space<hbm>>) dst(%arg27 : memref<3200xi32, #tpu.memory_space<vmem>>)
      %dma_wait3A_315 = arith.constant 0 : i32
      %dma_wait3A_316 = arith.constant 0 : i32
      %dma_wait3A_317 = tpu.memref_slice %arg3[%dma_wait3A_315, %dma_wait3A_316] : memref<3x2000000xf32, #tpu.memory_space<hbm>> -> memref<3x3200xf32, #tpu.memory_space<hbm>>
      %dma_wait3A_318 = arith.constant 0 : i32
      %dma_wait3A_319 = arith.constant 0 : i32
      %dma_wait3A_320 = tpu.memref_slice %arg3[%dma_wait3A_318, %dma_wait3A_319] : memref<3x2000000xf32, #tpu.memory_space<hbm>> -> memref<3x3200xf32, #tpu.memory_space<hbm>>
      tpu.wait_dma2 semaphore(%arg30 : memref<!tpu.dma_semaphore, #tpu.memory_space<semaphore_mem>>) src(%dma_wait3A_320 : memref<3x3200xf32, #tpu.memory_space<hbm>>) dst(%arg28 : memref<3x3200xf32, #tpu.memory_space<vmem>>)
      %ge3A_321 = arith.constant 4 : i32
      %ge3A_322 = arith.cmpi sge, %add3A_306, %ge3A_321 : i32
      %convert_element_type3A_323 = arith.extui %ge3A_322 : i1 to i32
      %cond3A_324 = arith.constant 0 : i32
      %cond3A_325 = arith.cmpi ne, %convert_element_type3A_323, %cond3A_324 : i32
      scf.if %cond3A_325 {
        %dma_wait3A_348 = arith.constant 0 : i32
        %dma_wait3A_349 = tpu.memref_slice %arg7[%dma_wait3A_348] : memref<2000000xf32, #tpu.memory_space<hbm>> -> memref<3200xf32, #tpu.memory_space<hbm>>
        %dma_wait3A_350 = arith.constant 0 : i32
        %dma_wait3A_351 = tpu.memref_slice %arg7[%dma_wait3A_350] : memref<2000000xf32, #tpu.memory_space<hbm>> -> memref<3200xf32, #tpu.memory_space<hbm>>
        tpu.wait_dma2 semaphore(%arg31 : memref<!tpu.dma_semaphore, #tpu.memory_space<semaphore_mem>>) src(%arg29 : memref<3200xf32, #tpu.memory_space<vmem>>) dst(%dma_wait3A_351 : memref<3200xf32, #tpu.memory_space<hbm>>)
      } else {
      }
      %parallel_loop3A_326 = arith.constant 0 : i32
      %parallel_loop3A_327 = arith.constant 3200 : i32
      %parallel_loop3A_328 = arith.constant 16 : i32
      scf.for %parallel_loop3A_348 = %parallel_loop3A_326 to %parallel_loop3A_327 step %parallel_loop3A_328  : i32 {
        %parallel_loop3A_349 = arith.constant 0 : i32
        %parallel_loop3A_350 = arith.index_cast %parallel_loop3A_349 : i32 to index
        %parallel_loop3A_351 = arith.index_cast %parallel_loop3A_348 : i32 to index
        %parallel_loop3A_352 = tpu.vector_load %arg28[%parallel_loop3A_350, %parallel_loop3A_351] {strides = array<i32>} : memref<3x3200xf32, #tpu.memory_space<vmem>>, vector<16xf32>,
        %parallel_loop3A_353 = arith.constant 1 : i32
        %parallel_loop3A_354 = arith.index_cast %parallel_loop3A_353 : i32 to index
        %parallel_loop3A_355 = arith.index_cast %parallel_loop3A_348 : i32 to index
        %parallel_loop3A_356 = tpu.vector_load %arg28[%parallel_loop3A_354, %parallel_loop3A_355] {strides = array<i32>} : memref<3x3200xf32, #tpu.memory_space<vmem>>, vector<16xf32>,
        %parallel_loop3A_357 = arith.constant 2 : i32
        %parallel_loop3A_358 = arith.index_cast %parallel_loop3A_357 : i32 to index
        %parallel_loop3A_359 = arith.index_cast %parallel_loop3A_348 : i32 to index
        %parallel_loop3A_360 = tpu.vector_load %arg28[%parallel_loop3A_358, %parallel_loop3A_359] {strides = array<i32>} : memref<3x3200xf32, #tpu.memory_space<vmem>>, vector<16xf32>,
        %parallel_loop3A_361 = arith.index_cast %parallel_loop3A_348 : i32 to index
        %parallel_loop3A_362 = tpu.vector_load %arg27[%parallel_loop3A_361] {strides = array<i32>} : memref<3200xi32, #tpu.memory_space<vmem>>, vector<16xi32>,
        %parallel_loop3A_363 = tpu.vector_load_idx %arg32[%parallel_loop3A_362] : memref<32xf32, #tpu.memory_space<vmem>>[vector<16xi32>], vector<16xf32>,
        %parallel_loop3A_364 = arith.index_cast %parallel_loop3A_348 : i32 to index
        %parallel_loop3A_365 = tpu.vector_load %arg26[%parallel_loop3A_364] {strides = array<i32>} : memref<3200xf32, #tpu.memory_space<vmem>>, vector<16xf32>,
        %parallel_loop3A_366 = arith.mulf %broadcast_in_dim3A_25, %parallel_loop3A_352 : vector<16xf32>
        %parallel_loop3A_367 = arith.mulf %broadcast_in_dim3A_64, %parallel_loop3A_356 : vector<16xf32>
        %parallel_loop3A_368 = arith.addf %parallel_loop3A_366, %parallel_loop3A_367 : vector<16xf32>
        %parallel_loop3A_369 = arith.mulf %broadcast_in_dim3A_77, %parallel_loop3A_360 : vector<16xf32>
        %parallel_loop3A_370 = arith.addf %parallel_loop3A_368, %parallel_loop3A_369 : vector<16xf32>
        %parallel_loop3A_371 = arith.mulf %broadcast_in_dim3A_38, %parallel_loop3A_356 : vector<16xf32>
        %parallel_loop3A_372 = arith.mulf %broadcast_in_dim3A_90, %parallel_loop3A_360 : vector<16xf32>
        %parallel_loop3A_373 = arith.addf %parallel_loop3A_371, %parallel_loop3A_372 : vector<16xf32>
        %parallel_loop3A_374 = arith.mulf %parallel_loop3A_352, %parallel_loop3A_370 : vector<16xf32>
        %parallel_loop3A_375 = arith.mulf %parallel_loop3A_356, %parallel_loop3A_373 : vector<16xf32>
        %parallel_loop3A_376 = arith.addf %parallel_loop3A_374, %parallel_loop3A_375 : vector<16xf32>
        %parallel_loop3A_377 = arith.mulf %parallel_loop3A_360, %parallel_loop3A_360 : vector<16xf32>
        %parallel_loop3A_378 = arith.mulf %broadcast_in_dim3A_51, %parallel_loop3A_377 : vector<16xf32>
        %parallel_loop3A_379 = arith.addf %parallel_loop3A_376, %parallel_loop3A_378 : vector<16xf32>
        %parallel_loop3A_380 = arith.mulf %parallel_loop3A_365, %parallel_loop3A_363 : vector<16xf32>
        %parallel_loop3A_381 = math.exp %parallel_loop3A_379 : vector<16xf32>
        %parallel_loop3A_382 = arith.mulf %parallel_loop3A_380, %parallel_loop3A_381 : vector<16xf32>
        %parallel_loop3A_383 = arith.index_cast %parallel_loop3A_348 : i32 to index
        %parallel_loop3A_384 = tpu.vector_load %arg29[%parallel_loop3A_383] {strides = array<i32>} : memref<3200xf32, #tpu.memory_space<vmem>>, vector<16xf32>,
        tpu.vector_store %arg29[%parallel_loop3A_383], %parallel_loop3A_382 {strides = array<i32>} : memref<3200xf32, #tpu.memory_space<vmem>>, vector<16xf32>,
      } {sc.loop_unroll_factor = 4 : i64, sc.parallel_access}
      %mul3A_329 = arith.constant 32 : i32
      %mul3A_330 = arith.muli %mul3A_329, %add3A_306 : i32
      %add3A_331 = arith.addi %add3A, %mul3A_330 : i32
      %lt3A_332 = arith.constant 625 : i32
      %lt3A_333 = arith.cmpi slt, %add3A_331, %lt3A_332 : i32
      %sub3A_334 = arith.constant 32 : i32
      %sub3A_335 = arith.subi %add3A_331, %sub3A_334 : i32
      %select_n3A_336 = arith.select %lt3A_333, %add3A_331, %sub3A_335 : i32
      %mul3A_337 = arith.constant 3200 : i32
      %mul3A_338 = arith.muli %select_n3A_336, %mul3A_337 : i32
      %dma_start3A_339 = tpu.memref_slice %arg7[%mul3A_338] : memref<2000000xf32, #tpu.memory_space<hbm>> -> memref<3200xf32, #tpu.memory_space<hbm>>
      %dma_start3A_340 = tpu.memref_slice %arg7[%mul3A_338] : memref<2000000xf32, #tpu.memory_space<hbm>> -> memref<3200xf32, #tpu.memory_space<hbm>>
      tpu.enqueue_dma source(%arg29 : memref<3200xf32, #tpu.memory_space<vmem>>) target(%dma_start3A_340 : memref<3200xf32, #tpu.memory_space<hbm>>) target_semaphore(%arg31 : memref<!tpu.dma_semaphore, #tpu.memory_space<semaphore_mem>>)
      %add3A_341 = arith.constant 4 : i32
      %add3A_342 = arith.addi %add3A_306, %add3A_341 : i32
      %lt3A_343 = arith.constant 20 : i32
      %lt3A_344 = arith.cmpi slt, %add3A_342, %lt3A_343 : i32
      %convert_element_type3A_345 = arith.extui %lt3A_344 : i1 to i32
      %cond3A_346 = arith.constant 0 : i32
      %cond3A_347 = arith.cmpi ne, %convert_element_type3A_345, %cond3A_346 : i32
      scf.if %cond3A_347 {
        %add3A_348 = arith.constant 4 : i32
        %add3A_349 = arith.addi %add3A_306, %add3A_348 : i32
        %mul3A_350 = arith.constant 32 : i32
        %mul3A_351 = arith.muli %mul3A_350, %add3A_349 : i32
        %add3A_352 = arith.addi %add3A, %mul3A_351 : i32
        %lt3A_353 = arith.constant 625 : i32
        %lt3A_354 = arith.cmpi slt, %add3A_352, %lt3A_353 : i32
        %sub3A_355 = arith.constant 32 : i32
        %sub3A_356 = arith.subi %add3A_352, %sub3A_355 : i32
        %select_n3A_357 = arith.select %lt3A_354, %add3A_352, %sub3A_356 : i32
        %mul3A_358 = arith.constant 3200 : i32
        %mul3A_359 = arith.muli %select_n3A_357, %mul3A_358 : i32
        %dma_start3A_360 = tpu.memref_slice %arg2[%mul3A_359] : memref<2000000xf32, #tpu.memory_space<hbm>> -> memref<3200xf32, #tpu.memory_space<hbm>>
        %dma_start3A_361 = tpu.memref_slice %arg2[%mul3A_359] : memref<2000000xf32, #tpu.memory_space<hbm>> -> memref<3200xf32, #tpu.memory_space<hbm>>
        tpu.enqueue_dma source(%dma_start3A_361 : memref<3200xf32, #tpu.memory_space<hbm>>) target(%arg26 : memref<3200xf32, #tpu.memory_space<vmem>>) target_semaphore(%arg30 : memref<!tpu.dma_semaphore, #tpu.memory_space<semaphore_mem>>)
        %dma_start3A_362 = tpu.memref_slice %arg4[%mul3A_359] : memref<2000000xi32, #tpu.memory_space<hbm>> -> memref<3200xi32, #tpu.memory_space<hbm>>
        %dma_start3A_363 = tpu.memref_slice %arg4[%mul3A_359] : memref<2000000xi32, #tpu.memory_space<hbm>> -> memref<3200xi32, #tpu.memory_space<hbm>>
        tpu.enqueue_dma source(%dma_start3A_363 : memref<3200xi32, #tpu.memory_space<hbm>>) target(%arg27 : memref<3200xi32, #tpu.memory_space<vmem>>) target_semaphore(%arg30 : memref<!tpu.dma_semaphore, #tpu.memory_space<semaphore_mem>>)
        %dma_start3A_364 = arith.constant 0 : i32
        %dma_start3A_365 = tpu.memref_slice %arg3[%dma_start3A_364, %mul3A_359] : memref<3x2000000xf32, #tpu.memory_space<hbm>> -> memref<3x3200xf32, #tpu.memory_space<hbm>>
        %dma_start3A_366 = arith.constant 0 : i32
        %dma_start3A_367 = tpu.memref_slice %arg3[%dma_start3A_366, %mul3A_359] : memref<3x2000000xf32, #tpu.memory_space<hbm>> -> memref<3x3200xf32, #tpu.memory_space<hbm>>
        tpu.enqueue_dma source(%dma_start3A_367 : memref<3x3200xf32, #tpu.memory_space<hbm>>) target(%arg28 : memref<3x3200xf32, #tpu.memory_space<vmem>>) target_semaphore(%arg30 : memref<!tpu.dma_semaphore, #tpu.memory_space<semaphore_mem>>)
      } else {
      }
    }
    %scan3A_159 = arith.constant 5 : i32
    %dma_wait3A = arith.constant 0 : i32
    %dma_wait3A_160 = tpu.memref_slice %arg7[%dma_wait3A] : memref<2000000xf32, #tpu.memory_space<hbm>> -> memref<3200xf32, #tpu.memory_space<hbm>>
    %dma_wait3A_161 = arith.constant 0 : i32
    %dma_wait3A_162 = tpu.memref_slice %arg7[%dma_wait3A_161] : memref<2000000xf32, #tpu.memory_space<hbm>> -> memref<3200xf32, #tpu.memory_space<hbm>>
    tpu.wait_dma2 semaphore(%arg13 : memref<!tpu.dma_semaphore, #tpu.memory_space<semaphore_mem>>) src(%arg11 : memref<3200xf32, #tpu.memory_space<vmem>>) dst(%dma_wait3A_162 : memref<3200xf32, #tpu.memory_space<hbm>>)
    %dma_wait3A_163 = arith.constant 0 : i32
    %dma_wait3A_164 = tpu.memref_slice %arg7[%dma_wait3A_163] : memref<2000000xf32, #tpu.memory_space<hbm>> -> memref<3200xf32, #tpu.memory_space<hbm>>
    %dma_wait3A_165 = arith.constant 0 : i32
    %dma_wait3A_166 = tpu.memref_slice %arg7[%dma_wait3A_165] : memref<2000000xf32, #tpu.memory_space<hbm>> -> memref<3200xf32, #tpu.memory_space<hbm>>
    tpu.wait_dma2 semaphore(%arg19 : memref<!tpu.dma_semaphore, #tpu.memory_space<semaphore_mem>>) src(%arg17 : memref<3200xf32, #tpu.memory_space<vmem>>) dst(%dma_wait3A_166 : memref<3200xf32, #tpu.memory_space<hbm>>)
    %dma_wait3A_167 = arith.constant 0 : i32
    %dma_wait3A_168 = tpu.memref_slice %arg7[%dma_wait3A_167] : memref<2000000xf32, #tpu.memory_space<hbm>> -> memref<3200xf32, #tpu.memory_space<hbm>>
    %dma_wait3A_169 = arith.constant 0 : i32
    %dma_wait3A_170 = tpu.memref_slice %arg7[%dma_wait3A_169] : memref<2000000xf32, #tpu.memory_space<hbm>> -> memref<3200xf32, #tpu.memory_space<hbm>>
    tpu.wait_dma2 semaphore(%arg25 : memref<!tpu.dma_semaphore, #tpu.memory_space<semaphore_mem>>) src(%arg23 : memref<3200xf32, #tpu.memory_space<vmem>>) dst(%dma_wait3A_170 : memref<3200xf32, #tpu.memory_space<hbm>>)
    %dma_wait3A_171 = arith.constant 0 : i32
    %dma_wait3A_172 = tpu.memref_slice %arg7[%dma_wait3A_171] : memref<2000000xf32, #tpu.memory_space<hbm>> -> memref<3200xf32, #tpu.memory_space<hbm>>
    %dma_wait3A_173 = arith.constant 0 : i32
    %dma_wait3A_174 = tpu.memref_slice %arg7[%dma_wait3A_173] : memref<2000000xf32, #tpu.memory_space<hbm>> -> memref<3200xf32, #tpu.memory_space<hbm>>
    tpu.wait_dma2 semaphore(%arg31 : memref<!tpu.dma_semaphore, #tpu.memory_space<semaphore_mem>>) src(%arg29 : memref<3200xf32, #tpu.memory_space<vmem>>) dst(%dma_wait3A_174 : memref<3200xf32, #tpu.memory_space<hbm>>)
    return
  }
}

</mosaic_0001>

<sc_bundles>
// kernel: _scaler_call.3.cloned.1.call-start
scs
__scs_entry_jumppad:
0x0: {  	(pc) =	sbr.rel $0x88, $3  }
0x1: {  	(tag) =	ssettag $0x0;
	lr =	simm.s32 $0x1  }
0x2: {  	[smem:$0x3F9C] =	sst lr;
	_ =	strace $0xD0000000  }
0x3: {  	_ = 	snop  }
0x4: {  	_ = 	snop  }
0x5: {  	_ = 	snop  }
0x6: {  	_ = 	snop  }
0x7: {  	_ = 	snop  }
__scs_overlays_trampoline_lowered:
0x8: {  	[smem:$0x3FAB] =	sst s0  }
0x9: {  	[smem:$0x3FAC] =	sst s1  }
0xa: {  	[smem:$0x3FAD] =	sst s2  }
0xb: {  	[smem:$0x3FAE] =	sst s3  }
0xc: {  	[smem:$0x3FAF] =	sst s4  }
0xd: {  	[smem:$0x3FB0] =	sst s5  }
0xe: {  	[smem:$0x3FB1] =	sst s6  }
0xf: {  	[smem:$0x3FB2] =	sst s7  }
0x10: {  	[smem:$0x3FB3] =	sst s8  }
0x11: {  	[smem:$0x3FB4] =	sst s9;
	s0 =	simm.s32 @!p0 $0x0  }
0x12: {  	s1 =	sld [smem:$0x3F9A];
	s0 =	simm.s32 @p0 $0x1  }
0x13: {  	[smem:$0x3FB5] =	sst s0;
	s0 =	simm.s32 @!p1 $0x0  }
0x14: {  	s2 =	sld [smem:$0x3F99];
	s0 =	simm.s32 @p1 $0x1  }
0x15: {  	[smem:$0x3FB6] =	sst s0;
	s0 =	simm.s32 @!p2 $0x0  }
0x16: {  	s3 =	sld [smem:$0x3FDB];
	s0 =	simm.s32 @p2 $0x1  }
0x17: {  	s4 =	simm.s32 $0x1BF5;
	[smem:$0x3FB8] =	sst s0  }
0x18: {  	s0 =	sld [smem:$0x3F9B];
	_ =	swait.ge [sflag:s4], $0x0  }
0x19: {  	s7 =	sld [smem:$0x3F9C]  }
0x1a: {  	s8 =	sadd.s32 $0xFFFFE003, lr  }
0x1b: {  	s9 =	sadd.s32 $0xFFFFFEF7, lr;
	s5 =	simm.s32 $0xFFFFFFFF;
	p2 =	slt.u32 s8, $0xFFFFF086  }
0x1c: {  	p1 =	slt.u32 s9, $0xF7A;
	s5 =	simm.s32 @!p2 $0x0  }
0x1d: {  	s5 =	simm.s32 @p1 $0x1;
	p0 =	seq.s32 s7, s2  }
0x1e: {  	s7 =	smul.u32 @!p0 $0xF7A, s2;
	p2 =	seq.s32 @!p0 s5, $0x0  }
0x1f: {  	s9 =	smul.u32 $0xF7A, s1;
	s8 =	simm.s32 @!p0 $0x1BF5;
	p2 =	por !p2, p0  }
0x20: {  	[sflag:s8] =	ssyncset.s32 @!p0 $0xFFFFF086;
	s6 =	sadd.s32 @!p0 s3, s7;
	s7 =	simm.s32 @!p0 $0x108  }
0x21: {  	s3 =	sadd.s32 s3, s9;
	s6 =	sadd.s32 @!p0 $0x88, s6;
	s7 =	simm.s32 @p2 $0x1082  }
0x22: {  	[simem:s7], [sflag:s8] =	dma.local @!p0 [hbm:s6], $0xF7A  }
0x23: {  	s9 =	sor.u32 $0xD0000000, s2;
	s6 =	simm.s32 $0x108;
	_ =	swait.ge @!p0 [sflag:s8], $0x0  }
0x24: {  	s3 =	sadd.s32 $0x88, s3;
	s6 =	simm.s32 @!p1 $0x1082;
	[sflag:s4] =	ssyncset.s32 $0xFFFFF086  }
0x25: {  	[simem:s6], [sflag:s4] =	dma.local [hbm:s3], $0xF7A  }
0x26: {  	[smem:$0x3F9C] =	sst s1;
	(tag) =	ssettag s2;
	_ =	strace s9  }
0x27: {  	s1 =	sld [smem:$0x3FAC]  }
0x28: {  	s2 =	sld [smem:$0x3FAD]  }
0x29: {  	s4 =	sld [smem:$0x3FAF]  }
0x2a: {  	p0 =	seq.s32 s5, $0x0;
	s5 =	sld [smem:$0x3FB0]  }
0x2b: {  	s6 =	sld [smem:$0x3FB1]  }
0x2c: {  	s7 =	sld [smem:$0x3FB2]  }
0x2d: {  	s3 =	simm.s32 $0x108;
	s8 =	sld [smem:$0x3FB3]  }
0x2e: {  	s3 =	simm.s32 @!p0 $0x1082;
	s9 =	sld [smem:$0x3FB4]  }
0x2f: {  	lr =	sadd.s32 s0, s3;
	s0 =	sld [smem:$0x3FAB]  }
0x30: {  	s3 =	sld [smem:$0x3FAE]  }
0x31: {  	[smem:$0x3FB7] =	sst s10  }
0x32: {  	s10 =	sld [smem:$0x3FB5];
	_ =	sdelay $0x3  }
0x33: {  	p0 =	seq.s32 s10, $0x1;
	s10 =	sld [smem:$0x3FB7];
	_ =	sdelay $0x3  }
0x34: {  	[smem:$0x3FB7] =	sst s10  }
0x35: {  	s10 =	sld [smem:$0x3FB6];
	_ =	sdelay $0x3  }
0x36: {  	p1 =	seq.s32 s10, $0x1;
	s10 =	sld [smem:$0x3FB7];
	_ =	sdelay $0x3  }
0x37: {  	[smem:$0x3FB7] =	sst s10  }
0x38: {  	s10 =	sld [smem:$0x3FB8]  }
0x39: {  	_ = 	snop;
	(pc) =	sbr.ind lr, $3  }
0x3a: {  	_ = 	snop  }
0x3b: {  	_ = 	snop  }
0x3c: {  	p2 =	seq.s32 s10, $0x1;
	s10 =	sld [smem:$0x3FB7]  }
0x3d: {  	_ =	shalt  }
0x3e: {  	_ =	shalt  }
0x3f: {  	_ =	shalt  }
0x40: {  	_ =	shalt  }
0x41: {  	_ =	shalt  }
0x42: {  	_ =	shalt  }
0x43: {  	_ =	shalt  }
0x44: {  	_ =	shalt  }
0x45: {  	_ =	shalt  }
0x46: {  	_ =	shalt  }
0x47: {  	_ =	shalt  }
0x48: {  	_ =	shalt  }
0x49: {  	_ =	shalt  }
0x4a: {  	_ =	shalt  }
0x4b: {  	_ =	shalt  }
0x4c: {  	_ =	shalt  }
0x4d: {  	_ =	shalt  }
0x4e: {  	_ =	shalt  }
0x4f: {  	_ =	shalt  }
0x50: {  	_ =	shalt  }
0x51: {  	_ =	shalt  }
0x52: {  	_ =	shalt  }
0x53: {  	_ =	shalt  }
0x54: {  	_ =	shalt  }
0x55: {  	_ =	shalt  }
0x56: {  	_ =	shalt  }
0x57: {  	_ =	shalt  }
0x58: {  	_ =	shalt  }
0x59: {  	_ =	shalt  }
0x5a: {  	_ =	shalt  }
0x5b: {  	_ =	shalt  }
0x5c: {  	_ =	shalt  }
0x5d: {  	_ =	shalt  }
0x5e: {  	_ =	shalt  }
0x5f: {  	_ =	shalt  }
0x60: {  	_ =	shalt  }
0x61: {  	_ =	shalt  }
0x62: {  	_ =	shalt  }
0x63: {  	_ =	shalt  }
0x64: {  	_ =	shalt  }
0x65: {  	_ =	shalt  }
0x66: {  	_ =	shalt  }
0x67: {  	_ =	shalt  }
0x68: {  	_ =	shalt  }
0x69: {  	_ =	shalt  }
0x6a: {  	_ =	shalt  }
0x6b: {  	_ =	shalt  }
0x6c: {  	_ =	shalt  }
0x6d: {  	_ =	shalt  }
0x6e: {  	_ =	shalt  }
0x6f: {  	_ =	shalt  }
0x70: {  	_ =	shalt  }
0x71: {  	_ =	shalt  }
0x72: {  	_ =	shalt  }
0x73: {  	_ =	shalt  }
0x74: {  	_ =	shalt  }
0x75: {  	_ =	shalt  }
0x76: {  	_ =	shalt  }
0x77: {  	_ =	shalt  }
0x78: {  	_ =	shalt  }
0x79: {  	_ =	shalt  }
0x7a: {  	_ =	shalt  }
0x7b: {  	_ =	shalt  }
0x7c: {  	_ =	shalt  }
0x7d: {  	_ =	shalt  }
0x7e: {  	_ =	shalt  }
0x7f: {  	_ =	shalt  }
0x80: {  	_ =	shalt  }
0x81: {  	_ =	shalt  }
0x82: {  	_ =	shalt  }
0x83: {  	_ =	shalt  }
0x84: {  	_ =	shalt  }
0x85: {  	_ =	shalt  }
0x86: {  	_ =	shalt  }
0x87: {  	_ =	shalt  }
.Lfunc_end0:
.L_simem_size_0:
called_computation_lowered:
.L_overlay_start_0:
0x88: {  	s2 =	sld [smem:$0x3FD9]  }
0x89: {  	s3 =	sld [smem:$0x3FFE];
	_ =	sdelay $0x1  }
0x8a: {  	s1 =	srdreg.scid  }
0x8b: {  	s0 =	sand.u32 $0x1, s1  }
0x8c: {  	s18 =	sshll.u32 s0, $0xA;
	s2 =	sadd.s32 s3, s2  }
0x8d: {  	s2 =	sadd.s32 s2, s18  }
0x8e: {  	[smem:$0x3FC3] =	sst s2  }
0x8f: {  	_ = 	snop  }
0x90: {  	s2 =	sld [smem:$0x3FC9]  }
0x91: {  	s19 =	sld [smem:$0x3FC8]  }
0x92: {  	s4 =	sld [smem:$0x3FC7]  }
0x93: {  	s5 =	sld [smem:$0x3FC6]  }
0x94: {  	s6 =	sld [smem:$0x3FC5]  }
0x95: {  	s7 =	sld [smem:$0x3FD0];
	(tm) =	ssettm $0x1  }
0x96: {  	s8 =	sld [smem:$0x3FFB];
	_ =	sdelay $0x3  }
0x97: {  	_ =	strace s8  }
0x98: {  	s8 =	sld [smem:$0x3FFC];
	_ =	sdelay $0x3  }
0x99: {  	_ =	strace s8  }
0x9a: {  	s8 =	sld [smem:$0x3FFD];
	_ =	sdelay $0x3  }
0x9b: {  	_ =	strace s8  }
0x9c: {  	_ =	strace $0x8FFFFFFF  }
0x9d: {  	s20 =	sld [smem:$0x3FDB];
	_ =	sdelay $0x1  }
0x9e: {  	s9 =	simm.s32 $_scs_section_size  }
0x9f: {  	s10 =	simm.s32 $_size__tile_overlayer_lowered;
	s11 =	simm.s32 $_tile_overlayer_lowered  }
0xa0: {  	s23 =	simm.s32 $0x1BFF;
	s22 =	sshll.u32 s11, $0x1;
	s8 =	sadd.s32 s9, s20  }
0xa1: {  	s12 =	simm.s32 $0x0;
	s21 =	sshll.u32 s10, $0x1;
	s10 =	sadd.s32 s22, s8  }
0xa2: {  	[timem:s12], [sflag:s23] =	dma.local [hbm:s10], s21  }
0xa3: {  	_ =	swait.ge [sflag:s23], s21  }
0xa4: {  	s9 =	ssub.s32 $0x0, s21;
	[sflag:s23] =	ssyncset.done $0x0  }
0xa5: {  	[sflag:s23] =	ssyncadd.s32 s9;
	_ =	sdelay $0x1  }
0xa6: {  	s24 =	simm.s32 $0x1B8B  }
0xa7: {  	_ =	swait.ge [sflag:s24], $0x1  }
0xa8: {  	[sflag:s24] =	ssyncset.done $0x0  }
0xa9: {  	s25 =	simm.s32 $0x1B8E;
	[sflag:s24] =	ssyncadd.s32 $0xFFFFFFFF  }
0xaa: {  	s26 =	simm.s32 $execute0_lowered;
	[smem:$0x3FD2] =	sst s25  }
0xab: {  	s9 =	sshll.u32 s26, $0x1;
	_ =	strace $0x80000046;
	[dreg:$0x1] =	wrdreg $0xFFFFFFFF  }
0xac: {  	s28 =	simm.s32 $_size_execute0_lowered;
	s8 =	sadd.s32 s8, s9;
	[dreg:$0x0] =	wrdreg $0x0  }
0xad: {  	s9 =	sshll.u32 s28, $0x1;
	[dreg:$0x2] =	wrdreg s8  }
0xae: {  	[dreg:$0x3] =	wrdreg s9  }
0xaf: {  	[dreg:$0x4] =	wrdreg $0xC0  }
0xb0: {  	_ =	task [dreg:s12], $0x5FFFF  }
0xb1: {  	[dreg:$0x1] =	wrdreg $0xFFFFFFFF  }
0xb2: {  	[dreg:$0x0] =	wrdreg $0x60  }
0xb3: {  	[dreg:$0x2] =	wrdreg s2  }
0xb4: {  	[dreg:$0x3] =	wrdreg s19  }
0xb5: {  	[dreg:$0x4] =	wrdreg s4  }
0xb6: {  	[dreg:$0x5] =	wrdreg s5  }
0xb7: {  	[dreg:$0x6] =	wrdreg s6  }
0xb8: {  	[dreg:$0x7] =	wrdreg s7  }
0xb9: {  	[dreg:$0x8] =	wrdreg $0x9  }
0xba: {  	_ =	task.clear_ibuf [dreg:s12], $0x9FFFF;
	_ =	strace $0x90000046  }
0xbb: {  	s29 =	simm.s32 $0x9;
	_ =	strace $0x80000048  }
0xbc: {  	_ =	swait.ge [sflag:s29], $0x1  }
0xbd: {  	[sflag:s29] =	ssyncadd.s32 $0xFFFFFFFF  }
0xbe: {  	_ =	strace $0x90000048  }
0xbf: {  	_ =	sfence  }
0xc0: {  	s30 =	sld [smem:$0x0];
	_ =	sdelay $0x2  }
0xc1: {  	s31 =	sshll.u32 s1, $0xD;
	s1 =	sshrl.u32 s1, $0x2  }
0xc2: {  	s3 =	sand.u32 $0x4000, s31;
	s1 =	sadd.s32 s1, s30  }
0xc3: {  	s0 =	sor.u32 s3, s0;
	s1 =	sshll.u32 s1, $0x11  }
0xc4: {  	s0 =	sor.u32 s1, s0  }
0xc5: {  	s0 =	sadd.s32 $0x8F2B, s0  }
0xc6: {  	[sflag:s0] =	ssyncadd.remote.s32 $0x1  }
0xc7: {  	_ =	sfence.sel $0xFFFF  }
0xc8: {  	[dreg:$0x0] =	wrdreg $0xFFFFFFFF;
	(pc) =	sbr.abs _section_cstart, $3  }
0xc9: {  	[dreg:$0x1] =	wrdreg $0xFFFFFFFF  }
0xca: {  	_ =	task.clear_ibuf [dreg:s12], $0x2FFFF;
	_ =	strace $0x9FFFFFFF  }
0xcb: {  	(tm) =	ssettm $0x7FFFFFFF  }
tec
execute0_lowered:
.L_overlay_start_1:
0x0: {  	(tag) =	ssettag $0x1  }
0x1: {  	s0 =	rddreg [dreg:$0x0]  }
0x2: {  	s1 =	rddreg [dreg:$0x1]  }
0x3: {  	s3 =	rddreg [dreg:$0x2];
	s2 =	srdreg.scid  }
0x4: {  	s4 =	stileid.u32;
	s7 =	rddreg [dreg:$0x5];
	s8 =	simm.s32 $0x0  }
0x5: {  	s31 =	simm.s32 $0x1;
	s2 =	sand.u32 $0x1, s2;
	s4 =	sshll.u32 s4, $0x1  }
0x6: {  	[smem:$0x7FF] =	sst s8;
	s30 =	sadd.s32 $0x3200, s7;
	s11 =	sor.u32 s2, s4  }
0x7: {  	s2 =	ssub.s32 $0x2, s2;
	_ =	strace $0x80000047;
	[dreg:$0x19] =	wrdreg s30  }
0x8: {  	s4 =	smul.u32 $0x190, s11;
	s25 =	sor.u32 $0x80, s11;
	[dreg:$0x7] =	wrdreg s11  }
0x9: {  	s5 =	smul.u32 $0x640, s11;
	s26 =	sor.u32 $0xA0, s11;
	[dreg:$0x14] =	wrdreg s25  }
0xa: {  	s6 =	sor.u32 $0x20, s11;
	s28 =	sor.u32 $0xC0, s11;
	[dreg:$0x15] =	wrdreg s26  }
0xb: {  	s9 =	sshrl.u32 s2, $0x1;
	s29 =	sor.u32 $0xE0, s11;
	[dreg:$0x16] =	wrdreg s28  }
0xc: {  	s13 =	sor.u32 $0x40, s11;
	[dreg:$0x18] =	wrdreg s29;
	s12 =	sadd.s32 s0, s4  }
0xd: {  	s10 =	smul.u32 $0x190, s6;
	s4 =	sadd.s32 s3, s4;
	[dreg:$0x8] =	wrdreg s12  }
0xe: {  	s2 =	ssub.s32 s2, s9;
	s5 =	sadd.s32 s1, s5;
	[dreg:$0x9] =	wrdreg s4  }
0xf: {  	s16 =	sor.u32 $0x60, s11;
	s2 =	smax.u32 s2, $0x1;
	[dreg:$0xa] =	wrdreg s5  }
0x10: {  	s6 =	smul.u32 $0x640, s6;
	s17 =	sadd.s32 s0, s10;
	[dreg:$0x17] =	wrdreg s2  }
0x11: {  	s14 =	smul.u32 $0x190, s13;
	s10 =	sadd.s32 s3, s10;
	[dreg:$0xb] =	wrdreg s17  }
0x12: {  	s15 =	smul.u32 $0x640, s13;
	s6 =	sadd.s32 s1, s6;
	[dreg:$0xc] =	wrdreg s10  }
0x13: {  	s18 =	smul.u32 $0x190, s16;
	s19 =	sadd.s32 s0, s14;
	[dreg:$0xd] =	wrdreg s6  }
0x14: {  	s20 =	smul.u32 $0x640, s16;
	s4 =	sadd.s32 s3, s14;
	[dreg:$0xe] =	wrdreg s19  }
.Ltmp0:
0x15: {  	s21 =	sadd.s32 s1, s15;
	[dreg:$0xf] =	wrdreg s4;
	(pc) =	sbr.rel .LBB2_1-.Ltmp0, $4  }
0x16: {  	s22 =	sadd.s32 s0, s18;
	s23 =	sadd.s32 s3, s18;
	[dreg:$0x10] =	wrdreg s21  }
0x17: {  	v0 =	vimm.f32 $0.0e+00;
	s24 =	sadd.s32 s1, s20;
	s5 =	simm.s32 $0x15E00;
	[dreg:$0x11] =	wrdreg s22  }
0x18: {  	vm0 =	vcmask $0x1F24;
	vm1 =	vcmask $0x2328;
	vm2 =	vcmask $0x272C;
	s12 =	simm.s32 $0x5;
	s14 =	simm.s32 $0x7;
	[dreg:$0x12] =	wrdreg s23  }
0x19: {  	vm3 =	vcmask $0x2B30;
	vm4 =	vcmask $0x2F34;
	vm5 =	vcmask $0x3338;
	[dreg:$0x13] =	wrdreg s24;
	s10 =	simm.s32 $0x3;
	s6 =	simm.s32 $0x0  }
.LBB2_12:
0x1a: {  	s2 =	simm.s32 $0x2  }
0x1b: {  	_ =	swait.ge [sflag:s2], $0xC80  }
0x1c: {  	[sflag:s2] =	ssyncset.done $0x0  }
0x1d: {  	s28 =	simm.s32 $0x4;
	[sflag:s2] =	ssyncadd.s32 $0xFFFFF380  }
0x1e: {  	_ =	swait.ge [sflag:s28], $0xC80  }
0x1f: {  	[sflag:s28] =	ssyncset.done $0x0  }
0x20: {  	s29 =	simm.s32 $0x6;
	[sflag:s28] =	ssyncadd.s32 $0xFFFFF380  }
0x21: {  	_ =	swait.ge [sflag:s29], $0xC80  }
0x22: {  	[sflag:s29] =	ssyncset.done $0x0  }
0x23: {  	s4 =	simm.s32 $0x8;
	[sflag:s29] =	ssyncadd.s32 $0xFFFFF380  }
0x24: {  	_ =	swait.ge [sflag:s4], $0xC80  }
0x25: {  	s6 =	rddreg [dreg:$0x1a]  }
0x26: {  	s30 =	rddreg [dreg:$0x17];
	s6 =	sadd.s32 $0x1, s6  }
0x27: {  	p0 =	sne.s32 s6, s30  }
.Ltmp1:
0x28: {  	_ = 	snop;
	(pc) =	sbr.rel @!p0 .LBB2_13-.Ltmp1, $3  }
0x29: {  	_ =	sdelay $0x1  }
0x2a: {  	[sflag:s4] =	ssyncset.done $0x0  }
0x2b: {  	[sflag:s4] =	ssyncadd.s32 $0xFFFFF380  }
.LBB2_1:
0x2c: {  	[dreg:$0x1a] =	wrdreg s6;
	[tilespmem:$0x15E80] =	vst v0  }
0x2d: {  	[tilespmem:$0x15E90] =	vst v0;
	s2 =	rddreg [dreg:$0x3];
	s4 =	simm.s32 $0x15E80;
	s22 =	simm.s32 $0x9  }
0x2e: {  	[tilespmem:s4], [sflag:$0x9] =	stream.linear.gather [hbm4b:s2+s8], $0x14, $0x38;
	[tilespmem:$0x15F00] =	vst v63  }
0x2f: {  	_ =	swait.ge [sflag:s22], $0x14  }
0x30: {  	[sflag:s22] =	ssyncset.done $0x0  }
0x31: {  	[sflag:s22] =	ssyncadd.s32 $0xFFFFFFEC  }
0x32: {  	s24 =	simm.s32 $0x15E98;
	s23 =	rddreg [dreg:$0x4]  }
0x33: {  	[tilespmem:s24], [sflag:$0x9] =	stream.linear.gather [hbm4b:s23+s8], $0x6, $0x38;
	[tilespmem:$0x15F00] =	vst v63  }
0x34: {  	_ =	swait.ge [sflag:s22], $0x6  }
0x35: {  	[sflag:s22] =	ssyncset.done $0x0  }
0x36: {  	[sflag:s22] =	ssyncadd.s32 $0xFFFFFFFA  }
0x37: {  	v1 =	vld [tilespmem:$0x15E90];
	_ =	sdelay $0x1  }
0x38: {  	v2 =	vld [tilespmem:$0x15E80]  }
0x39: {  	v3 =	vld [tilespmem:$0x15E84];
	_ =	sdelay $0x1  }
0x3a: {  	v4 =	vsel vm0, $0x0, v1  }
0x3b: {  	(xrf2) =	vadd.scan.msk.f32 $0xffff, v4;
	v4 =	vsel vm1, $0x0, v1  }
0x3c: {  	v2 =	vmul.f32 $1.442695020e+00, v2;
	(xrf2) =	vadd.scan.msk.f32 $0xffff, v4  }
0x3d: {  	v3 =	vmul.f32 $1.442695020e+00, v3  }
0x3e: {  	v4 =	vsel vm2, $0x0, v1;
	(erf) = vpow2.f32 v2  }
0x3f: {  	(xrf2) =	vadd.scan.msk.f32 $0xffff, v4;
	(erf) = vpow2.f32 v3  }
0x40: {  	v2 =	vsel vm3, $0x0, v1  }
0x41: {  	(xrf2) =	vadd.scan.msk.f32 $0xffff, v2  }
0x42: {  	v2 =	vsel vm4, $0x0, v1  }
0x43: {  	v1 =	vsel vm5, $0x0, v1;
	(xrf2) =	vadd.scan.msk.f32 $0xffff, v2;
	_ =	sdelay $0x1  }
0x44: {  	s25 =	rddreg [dreg:$0x8];
	v2, _, _ =	vpop (xrf2);
	(xrf2) =	vadd.scan.msk.f32 $0xffff, v1  }
0x45: {  	s26 =	rddreg [dreg:$0x9];
	(v2sf) =	vpush v2, $0xF;
	v1, _, _ =	vpop (xrf2)  }
0x46: {  	s29 =	rddreg [dreg:$0xa];
	(v2sf) =	vpush v1, $0xF;
	v1 =	vpop (erf)  }
0x47: {  	s6 =	rddreg [dreg:$0xb];
	[tilespmem:$0x15E00] =	vst v1;
	v1 =	vpop (erf)  }
0x48: {  	s11 =	rddreg [dreg:$0xc];
	v2, _, _ =	vpop (xrf2);
	[tilespmem:$0x15E04] =	vst v1  }
0x49: {  	(v2sf) =	vpush v2, $0xF;
	[tilespmem:s8], [sflag:$0x1] =	stream.linear.gather [hbm4b:s25+s8], $0xC80, $0x38;
	[tilespmem:$0x15F00] =	vst v63  }
0x4a: {  	s28 =	simm.s32 $0xC80;
	s16 =	rddreg [dreg:$0xd];
	v2, _, _ =	vpop (xrf2)  }
0x4b: {  	(v2sf) =	vpush v2, $0xF;
	[tilespmem:s28], [sflag:$0x1] =	stream.linear.gather [hbm4b:s26+s8], $0xC80, $0x38;
	[tilespmem:$0x15F00] =	vst v63  }
0x4c: {  	s30 =	simm.s32 $0x1900;
	s19 =	rddreg [dreg:$0xe];
	v1, _, _ =	vpop (xrf2)  }
0x4d: {  	(v2sf) =	vpush v1, $0xF;
	[tilespmem:s30], [sflag:$0x1] =	stream.linear.gather [hbm4b:s29+s8], $0x3200, $0x38;
	[tilespmem:$0x15F00] =	vst v63  }
0x4e: {  	s9 =	simm.s32 $0x5780;
	s21 =	rddreg [dreg:$0xf];
	v1, _, _ =	vpop (xrf2)  }
0x4f: {  	(v2sf) =	vpush v1, $0xF;
	[tilespmem:s9], [sflag:$0x3] =	stream.linear.gather [hbm4b:s6+s8], $0xC80, $0x38;
	[tilespmem:$0x15F00] =	vst v63  }
0x50: {  	s13 =	simm.s32 $0x6400;
	s23 =	rddreg [dreg:$0x10]  }
0x51: {  	[tilespmem:s13], [sflag:$0x3] =	stream.linear.gather [hbm4b:s11+s8], $0xC80, $0x38;
	[tilespmem:$0x15F00] =	vst v63  }
0x52: {  	s17 =	simm.s32 $0x7080;
	s25 =	rddreg [dreg:$0x11]  }
0x53: {  	[tilespmem:s17], [sflag:$0x3] =	stream.linear.gather [hbm4b:s16+s8], $0x3200, $0x38;
	[tilespmem:$0x15F00] =	vst v63  }
0x54: {  	s28 =	rddreg [dreg:$0x12];
	s9 =	simm.s32 $0xAF00;
	s15 =	spop (v2sf)  }
0x55: {  	[tilespmem:s9], [sflag:$0x5] =	stream.linear.gather [hbm4b:s19+s8], $0xC80, $0x38;
	[tilespmem:$0x15F00] =	vst v63  }
0x56: {  	s11 =	simm.s32 $0xBB80;
	s18 =	spop (v2sf);
	s2 =	smul.f32 $-1.973920820e+01, s15  }
0x57: {  	[tilespmem:s11], [sflag:$0x5] =	stream.linear.gather [hbm4b:s21+s8], $0xC80, $0x38;
	[tilespmem:$0x15F00] =	vst v63  }
0x58: {  	s13 =	simm.s32 $0xC800;
	s20 =	spop (v2sf);
	s4 =	smul.f32 $-1.973920820e+01, s18  }
0x59: {  	[tilespmem:s13], [sflag:$0x5] =	stream.linear.gather [hbm4b:s23+s8], $0x3200, $0x38;
	[tilespmem:$0x15F00] =	vst v63  }
0x5a: {  	s15 =	simm.s32 $0x10680;
	s22 =	spop (v2sf);
	s6 =	smul.f32 $-1.973920820e+01, s20  }
0x5b: {  	[tilespmem:s15], [sflag:$0x7] =	stream.linear.gather [hbm4b:s25+s8], $0xC80, $0x38;
	[tilespmem:$0x15F00] =	vst v63  }
0x5c: {  	s16 =	simm.s32 $0x11300;
	s24 =	spop (v2sf);
	s9 =	smul.f32 $-3.947841640e+01, s22  }
0x5d: {  	[tilespmem:s16], [sflag:$0x7] =	stream.linear.gather [hbm4b:s28+s8], $0xC80, $0x38;
	[tilespmem:$0x15F00] =	vst v63  }
0x5e: {  	s11 =	smul.f32 $-3.947841640e+01, s24;
	s26 =	spop (v2sf)  }
0x5f: {  	s13 =	smul.f32 $-3.947841640e+01, s26  }
0x60: {  	s29 =	rddreg [dreg:$0x13];
	s30 =	simm.s32 $0x11F80;
	v1 =	vmov s2;
	s21 =	simm.s32 $0x0;
	v2 =	vmov s4;
	v3 =	vmov s6  }
0x61: {  	v4 =	vmov s9;
	v5 =	vmov s11;
	[tilespmem:s30], [sflag:$0x7] =	stream.linear.gather [hbm4b:s29+s8], $0x3200, $0x38;
	v6 =	vmov s13;
	[tilespmem:$0x15F00] =	vst v63  }
.LBB2_2:
0x62: {  	_ =	swait.ge [sflag:s31], $0xC80  }
0x63: {  	[sflag:s31] =	ssyncset.done $0x0  }
0x64: {  	[sflag:s31] =	ssyncadd.s32 $0xFFFFF380  }
0x65: {  	_ =	swait.ge [sflag:s31], $0xC80  }
0x66: {  	[sflag:s31] =	ssyncset.done $0x0  }
0x67: {  	[sflag:s31] =	ssyncadd.s32 $0xFFFFF380  }
0x68: {  	_ =	swait.ge [sflag:s31], $0x3200  }
0x69: {  	p1 =	seq.s32 s21, $0x0;
	s4 =	simm.s32 $0x0;
	[sflag:s31] =	ssyncset.done $0x0  }
0x6a: {  	s9 =	simm.s32 $0x0;
	s2 =	simm.s32 @!p1 $0x2;
	[sflag:s31] =	ssyncadd.s32 $0xFFFFCE00  }
0x6b: {  	s11 =	sand.u32 $0x40, s9;
	s4 =	sand.u32 $0x3E00, s4;
	_ =	swait.ge @!p1 [sflag:s2], $0xC80  }
0x6c: {  	s4 =	sadd.s32 $0x1900, s4;
	s6 =	sor.u32 $0x20, s11;
	[sflag:s2] =	ssyncset.done @!p1 $0x0  }
0x6d: {  	s13 =	sor.u32 $0x30, s11;
	s26 =	sor.u32 s6, s4;
	[sflag:s2] =	ssyncadd.s32 @!p1 $0xFFFFF380  }
0x6e: {  	s15 =	sor.u32 s13, s4;
	v7 =	vld [tilespmem:s26+$0x100]  }
0x6f: {  	s17 =	sor.u32 $0x10, s11;
	v8 =	vld [tilespmem:s15+$0x0]  }
0x70: {  	s16 =	sor.u32 s17, s4;
	v9 =	vld [tilespmem:s15+$0x100]  }
0x71: {  	s4 =	sor.u32 s11, s4;
	v10 =	vld [tilespmem:s16+$0x80]  }
0x72: {  	v11 =	vld [tilespmem:s4+$0x0]  }
0x73: {  	v12 =	vld [tilespmem:s4+$0x100]  }
0x74: {  	v14 =	vld [tilespmem:s16+$0x0]  }
0x75: {  	v17 =	vld [tilespmem:s15+$0x80];
	v15 =	vmul.f32 v7, v6  }
0x76: {  	v13 =	vld [tilespmem:s16+$0x100];
	v16 =	vmul.f32 v9, v6;
	v18 =	vmul.f32 v9, v9  }
0x77: {  	s28 =	sand.u32 $0xF80, s9;
	v19 =	vmul.f32 v7, v5;
	v20 =	vmul.f32 v10, v2  }
0x78: {  	s18 =	sor.u32 s28, s17;
	v22 =	vld [tilespmem:s4+$0x80];
	v21 =	vmul.f32 v11, v1;
	v23 =	vmul.f32 v12, v6  }
0x79: {  	s16 =	simm.s32 $0x0;
	v30 =	vld [tilespmem:s18+$0xC80];
	v25 =	vmul.f32 v14, v1;
	v26 =	vmul.f32 v10, v4  }
0x7a: {  	s20 =	simm.s32 $0x40;
	s4 =	simm.s32 $0x100;
	v27 =	vld [tilespmem:s16+$0xC80];
	v28 =	vmul.f32 v8, v1;
	v29 =	vmul.f32 v17, v4  }
0x7b: {  	s17 =	sor.u32 s28, s13;
	s13 =	sand.u32 $0x40, s20;
	s30 =	sand.u32 $0x3E00, s4;
	v24 =	vmul.f32 v13, v5;
	v31 =	vmul.f32 v13, v6;
	v25 =	vadd.f32 v26, v25;
	v26 =	vld [tilespmem:s26+$0x0]  }
0x7c: {  	s22 =	sadd.s32 $0x1900, s30;
	v7 =	vmul.f32 v7, v7;
	v9 =	vmul.f32 v9, v5;
	v28 =	vadd.f32 v29, v28;
	v29 =	vld [tilespmem:s26+$0x80];
	s26 =	sor.u32 $0x10, s13  }
0x7d: {  	v20 =	vadd.f32 v31, v20;
	s25 =	sor.u32 s26, s22;
	v24 =	vadd.f32 v24, v25;
	v25 =	vmul.f32 v22, v4  }
0x7e: {  	v13 =	vmul.f32 v13, v13;
	v31 =	vmul.f32 v7, v3;
	v7 =	vadd.f32 v9, v28;
	v34 =	vld [tilespmem:s25+$0x80]  }
0x7f: {  	v9 =	vmul.f32 v12, v5;
	v10 =	vmul.f32 v20, v10;
	v21 =	vadd.f32 v25, v21  }
0x80: {  	v20 =	vld [tilespmem:s18+$0x0];
	v28 =	vmul.f32 v12, v12;
	v14 =	vmul.f32 v24, v14  }
0x81: {  	v24 =	vmul.f32 v22, v2;
	v25 =	vmul.f32 v7, v8;
	v7 =	vld [tilespmem:s16+$0x0];
	v8 =	vadd.f32 v9, v21  }
0x82: {  	v9 =	vadd.f32 v10, v14;
	v10 =	vmul.f32 v13, v3;
	v13 =	vld.idx.msk [tilespmem:v27+s5+$0x0], $0xffff;
	v14 =	vmul.f32 v17, v2  }
0x83: {  	s9 =	sor.u32 $0x20, s13;
	v21 =	vmul.f32 v29, v2;
	v27 =	vld.idx.msk [tilespmem:v30+s5+$0x0], $0xffff;
	v23 =	vadd.f32 v23, v24;
	v39 =	vmul.f32 v34, v4  }
0x84: {  	v32 =	vld [tilespmem:s17+$0xC80];
	s23 =	sor.u32 s9, s22;
	v11 =	vmul.f32 v8, v11;
	v8 =	vadd.f32 v9, v10;
	v9 =	vadd.f32 v16, v14  }
0x85: {  	s15 =	sor.u32 s13, s22;
	v30 =	vld [tilespmem:s23+$0x100];
	v10 =	vmul.f32 v29, v4;
	v12 =	vadd.f32 v15, v21;
	v14 =	vmul.f32 v26, v1  }
0x86: {  	s19 =	sor.u32 s28, s6;
	s24 =	sor.u32 $0x30, s13;
	v16 =	vld [tilespmem:s15+$0x100];
	v22 =	vmul.f32 v23, v22;
	v8 =	vmul.f32 $1.442695020e+00, v8  }
0x87: {  	v33 =	vld [tilespmem:s19+$0xC80];
	s28 =	sor.u32 s24, s22;
	v17 =	vmul.f32 v9, v17;
	v21 =	vmul.f32 v12, v29  }
0x88: {  	v15 =	vld [tilespmem:s28+$0x100];
	v7 =	vmul.f32 v7, v13;
	v35 =	vmul.f32 v20, v27  }
0x89: {  	v12 =	vld [tilespmem:s15+$0x0];
	v20 =	vmul.f32 v28, v3;
	(erf) = vpow2.f32 v8;
	v8 =	vadd.f32 v10, v14  }
0x8a: {  	v22 =	vadd.f32 v22, v11;
	v27 =	vld [tilespmem:s25+$0x0];
	v9 =	vmul.f32 v30, v5;
	v10 =	vmul.f32 v30, v6  }
0x8b: {  	v14 =	vld [tilespmem:s25+$0x100];
	v30 =	vmul.f32 v30, v30;
	v37 =	vmul.f32 v16, v6;
	v13 =	vadd.f32 v19, v8  }
0x8c: {  	v36 =	vld [tilespmem:s28+$0x0];
	v24 =	vadd.f32 v17, v25;
	v63 =	vmul.f32 v16, v5;
	v19 =	vmul.f32 v18, v3  }
0x8d: {  	v17 =	vld [tilespmem:s28+$0x80];
	v22 =	vadd.f32 v22, v20;
	v18 =	vmul.f32 v15, v6;
	v13 =	vmul.f32 v13, v26  }
0x8e: {  	v8 =	vmul.f32 v15, v15;
	v29 =	vmul.f32 v12, v1  }
0x8f: {  	v60 =	vmul.f32 $1.442695020e+00, v22;
	v26 =	vmul.f32 v34, v2;
	v21 =	vadd.f32 v21, v13  }
0x90: {  	v11 =	vld [tilespmem:s23+$0x0];
	v38 =	vmul.f32 v27, v1;
	v19 =	vadd.f32 v24, v19;
	v28 =	vmul.f32 v14, v5  }
0x91: {  	v23 =	vmul.f32 v14, v6;
	v25 =	vmul.f32 v14, v14;
	v13 =	vld [tilespmem:s15+$0x80];
	v21 =	vadd.f32 v21, v31  }
0x92: {  	v20 =	vld [tilespmem:s19+$0x0];
	v14 =	vmul.f32 v36, v1;
	v24 =	vmul.f32 v17, v4  }
0x93: {  	v22 =	vld.idx.msk [tilespmem:v33+s5+$0x0], $0xffff;
	v38 =	vadd.f32 v39, v38;
	v19 =	vmul.f32 $1.442695020e+00, v19;
	v31 =	vmul.f32 $1.442695020e+00, v21  }
0x94: {  	s6 =	simm.s32 $0x40;
	s30 =	sand.u32 $0xF80, s20;
	v40 =	vadd.f32 v23, v26;
	v26 =	vmul.f32 v15, v5;
	v23 =	vld.idx.msk [tilespmem:v32+s5+$0x0], $0xffff;
	v15 =	vmul.f32 v30, v3  }
0x95: {  	s11 =	sor.u32 s30, s26;
	v14 =	vadd.f32 v24, v14;
	v24 =	vld [tilespmem:s6+$0xC80];
	v30 =	vadd.f32 v28, v38;
	(erf) = vpow2.f32 v31  }
0x96: {  	v28 =	vld [tilespmem:s11+$0xC80];
	v31 =	vmul.f32 v13, v4;
	(erf) = vpow2.f32 v19  }
0x97: {  	v61 =	vadd.f32 v26, v14;
	v33 =	vmul.f32 v40, v34;
	v21 =	vld [tilespmem:s17+$0x0];
	(erf) = vpow2.f32 v60  }
0x98: {  	s29 =	sor.u32 s30, s24;
	v34 =	vmul.f32 v17, v2;
	v19 =	vmul.f32 v13, v2;
	v62 =	vadd.f32 v31, v29;
	v29 =	vld [tilespmem:s23+$0x80]  }
0x99: {  	s2 =	sor.u32 s30, s9;
	v14 =	vld [tilespmem:s29+$0xC80];
	v31 =	vmul.f32 v30, v27;
	v30 =	vpop (erf);
	v27 =	vmul.f32 v61, v36  }
0x9a: {  	s25 =	sshll.u32 s21, $0x7;
	v26 =	vadd.f32 v37, v19;
	v19 =	vld [tilespmem:s2+$0xC80];
	v30 =	vmul.f32 v30, v35;
	v32 =	vadd.f32 v63, v62  }
.LBB2_3:
0x9b: {  	s20 =	sadd.s32 $0x40, s20;
	v35 =	vmul.f32 v16, v16;
	v36 =	vld [tilespmem:s11+$0x0];
	v16 =	vadd.f32 v33, v31;
	v25 =	vmul.f32 v25, v3;
	s4 =	sadd.s32 $0x100, s4  }
0x9c: {  	s22 =	sand.u32 $0x40, s20;
	s9 =	sand.u32 $0x3E00, s4;
	p0 =	slt.u32 s20, $0xC40;
	v31 =	vld [tilespmem:s6+$0x0];
	v32 =	vmul.f32 v32, v12;
	v33 =	vadd.f32 v18, v34;
	[tilespmem:s18+$0x4B00] =	vst v30;
	v18 =	vmul.f32 v21, v23  }
0x9d: {  	s18 =	sadd.s32 $0x1900, s9;
	s15 =	sor.u32 $0x10, s22;
	s30 =	sor.u32 $0x20, s22;
	v21 =	vld.idx.msk [tilespmem:v24+s5+$0x0], $0xffff;
	v16 =	vadd.f32 v16, v25;
	v23 =	vmul.f32 v29, v2;
	v25 =	vmul.f32 v20, v22  }
0x9e: {  	s9 =	sor.u32 $0x30, s22;
	v24 =	vmul.f32 v29, v4;
	s26 =	sor.u32 s15, s18;
	s13 =	sor.u32 s30, s18;
	v22 =	vld.idx.msk [tilespmem:v28+s5+$0x0], $0xffff;
	v17 =	vmul.f32 v33, v17;
	v12 =	vpop (erf)  }
0x9f: {  	s22 =	sor.u32 s22, s18;
	s23 =	sor.u32 s9, s18;
	s18 =	smov.u32 s11;
	v28 =	vld [tilespmem:s13+$0x100];
	v16 =	vmul.f32 $1.442695020e+00, v16;
	v10 =	vadd.f32 v10, v23;
	v12 =	vmul.f32 v12, v25;
	v20 =	vpop (erf)  }
0xa0: {  	v23 =	vmul.f32 v11, v1;
	v30 =	vld [tilespmem:s23+$0x0];
	v18 =	vmul.f32 v20, v18;
	v20 =	vpop (erf)  }
0xa1: {  	v33 =	vld [tilespmem:s23+$0x100];
	v25 =	vmul.f32 v10, v29;
	v10 =	vmul.f32 v20, v7;
	[tilespmem:s19+$0x4B00] =	vst v12;
	s19 =	smov.u32 s2  }
0xa2: {  	v34 =	vld [tilespmem:s26+$0x80];
	(erf) = vpow2.f32 v16;
	[tilespmem:s17+$0x4B00] =	vst v18;
	s17 =	smov.u32 s29  }
0xa3: {  	v7 =	vmul.f32 v31, v21;
	v18 =	vadd.f32 v24, v23;
	v12 =	vld [tilespmem:s22+$0x0];
	[tilespmem:s16+$0x4B00] =	vst v10;
	s16 =	smov.u32 s6  }
0xa4: {  	v36 =	vmul.f32 v36, v22;
	v16 =	vld [tilespmem:s22+$0x100];
	v10 =	vmul.f32 v28, v6  }
0xa5: {  	v21 =	vmul.f32 v35, v3;
	v23 =	vmul.f32 v8, v3;
	v22 =	vadd.f32 v9, v18;
	v20 =	vld [tilespmem:s26+$0x100]  }
0xa6: {  	v24 =	vadd.f32 v17, v27;
	v29 =	vld [tilespmem:s26+$0x0];
	v18 =	vmul.f32 v33, v6;
	v8 =	vmul.f32 v33, v33  }
0xa7: {  	v9 =	vmul.f32 v28, v5;
	v22 =	vmul.f32 v22, v11;
	v27 =	vld [tilespmem:s22+$0x80]  }
0xa8: {  	v13 =	vmul.f32 v26, v13;
	v24 =	vadd.f32 v24, v23;
	v31 =	vmul.f32 v34, v2;
	v17 =	vld [tilespmem:s23+$0x80]  }
0xa9: {  	v26 =	vmul.f32 v12, v1;
	v22 =	vadd.f32 v25, v22;
	v35 =	vmul.f32 v16, v6;
	v11 =	vld [tilespmem:s13+$0x0]  }
0xaa: {  	v41 =	vadd.f32 v13, v32;
	v23 =	vmul.f32 v20, v5;
	v37 =	vmul.f32 v20, v6  }
0xab: {  	v38 =	vmul.f32 v34, v4;
	v15 =	vadd.f32 v22, v15;
	v32 =	vmul.f32 v29, v1;
	v39 =	vpop (erf)  }
0xac: {  	v40 =	vmul.f32 v30, v1;
	v25 =	vmul.f32 v20, v20;
	v22 =	vadd.f32 v41, v21;
	v20 =	vld [tilespmem:s19+$0x0];
	v13 =	vmovc v27  }
0xad: {  	v27 =	vadd.f32 v38, v32;
	v32 =	vmul.f32 v17, v4;
	v38 =	vmul.f32 $1.442695020e+00, v15;
	v21 =	vld [tilespmem:s17+$0x0]  }
0xae: {  	v37 =	vadd.f32 v37, v31;
	v31 =	vmul.f32 $1.442695020e+00, v22;
	v15 =	vmul.f32 v28, v28;
	v22 =	vld.idx.msk [tilespmem:v19+s5+$0x0], $0xffff  }
0xaf: {  	s6 =	sshra.s32 s4, $0x2;
	s22 =	sand.u32 $0xF80, s20;
	v19 =	vadd.f32 v23, v27;
	v27 =	vmul.f32 v33, v5;
	v23 =	vld.idx.msk [tilespmem:v14+s5+$0x0], $0xffff;
	v14 =	vmul.f32 $1.442695020e+00, v24  }
0xb0: {  	s11 =	sor.u32 s22, s15;
	s2 =	sor.u32 s22, s30;
	s29 =	sor.u32 s22, s9;
	v15 =	vmul.f32 v15, v3;
	v32 =	vadd.f32 v32, v40;
	v24 =	vld [tilespmem:s6+$0xC80];
	(erf) = vpow2.f32 v38  }
.Ltmp2:
0xb1: {  	v33 =	vmul.f32 v13, v4;
	v28 =	vld [tilespmem:s11+$0xC80];
	(erf) = vpow2.f32 v14;
	(pc) =	sbr.rel @p0 .LBB2_3-.Ltmp2, $4  }
0xb2: {  	v38 =	vmul.f32 v13, v2;
	v27 =	vadd.f32 v27, v32;
	v14 =	vld [tilespmem:s29+$0xC80];
	(erf) = vpow2.f32 v31  }
0xb3: {  	v40 =	vmul.f32 v16, v5;
	v32 =	vadd.f32 v33, v26;
	v31 =	vmul.f32 v19, v29;
	v29 =	vld [tilespmem:s13+$0x80]  }
0xb4: {  	v33 =	vmul.f32 v37, v34;
	v26 =	vadd.f32 v35, v38;
	v27 =	vmul.f32 v27, v30;
	v19 =	vld [tilespmem:s2+$0xC80]  }
0xb5: {  	v34 =	vmul.f32 v17, v2;
	v32 =	vadd.f32 v40, v32;
	v30 =	vmul.f32 v39, v36  }
0xb6: {  	_ =	sdelay $0x1  }
0xb7: {  	v36 =	vmul.f32 v11, v1;
	v35 =	vmul.f32 v29, v4;
	_ =	sdelay $0x1  }
0xb8: {  	v37 =	vmul.f32 v29, v2;
	v35 =	vadd.f32 v35, v36;
	_ =	sdelay $0x1  }
0xb9: {  	v10 =	vadd.f32 v10, v37;
	v9 =	vadd.f32 v9, v35  }
0xba: {  	v16 =	vmul.f32 v16, v16;
	v25 =	vmul.f32 v25, v3;
	v18 =	vadd.f32 v18, v34  }
0xbb: {  	v10 =	vmul.f32 v10, v29;
	v9 =	vmul.f32 v9, v11;
	v11 =	vadd.f32 v33, v31  }
0xbc: {  	v13 =	vmul.f32 v26, v13;
	v17 =	vmul.f32 v18, v17  }
0xbd: {  	v12 =	vmul.f32 v32, v12;
	v9 =	vadd.f32 v10, v9;
	v10 =	vadd.f32 v11, v25  }
0xbe: {  	v8 =	vmul.f32 v8, v3;
	v16 =	vmul.f32 v16, v3;
	v11 =	vadd.f32 v17, v27  }
0xbf: {  	v12 =	vadd.f32 v13, v12;
	v9 =	vadd.f32 v9, v15;
	v10 =	vmul.f32 $1.442695020e+00, v10  }
0xc0: {  	v8 =	vadd.f32 v11, v8  }
0xc1: {  	v12 =	vadd.f32 v12, v16;
	v9 =	vmul.f32 $1.442695020e+00, v9;
	(erf) = vpow2.f32 v10  }
0xc2: {  	v11 =	vld [tilespmem:s11+$0x0];
	v8 =	vmul.f32 $1.442695020e+00, v8  }
0xc3: {  	v12 =	vmul.f32 $1.442695020e+00, v12;
	v10 =	vld.idx.msk [tilespmem:v28+s5+$0x0], $0xffff;
	(erf) = vpow2.f32 v9  }
0xc4: {  	v9 =	vld [tilespmem:s2+$0x0];
	(erf) = vpow2.f32 v8  }
0xc5: {  	(erf) = vpow2.f32 v12;
	v12 =	vld.idx.msk [tilespmem:v19+s5+$0x0], $0xffff  }
0xc6: {  	v14 =	vld.idx.msk [tilespmem:v14+s5+$0x0], $0xffff;
	v15 =	vmul.f32 v20, v22  }
0xc7: {  	v13 =	vld [tilespmem:s6+$0x0];
	v16 =	vpop (erf);
	v17 =	vmul.f32 v21, v23  }
0xc8: {  	v15 =	vmul.f32 v16, v15;
	v8 =	vld [tilespmem:s29+$0x0];
	v19 =	vpop (erf)  }
0xc9: {  	[tilespmem:s18+$0x4B00] =	vst v30;
	v18 =	vld.idx.msk [tilespmem:v24+s5+$0x0], $0xffff;
	v16 =	vpop (erf);
	v17 =	vmul.f32 v19, v17;
	v10 =	vmul.f32 v11, v10  }
0xca: {  	[tilespmem:s19+$0x4B00] =	vst v15;
	v7 =	vmul.f32 v16, v7;
	v11 =	vpop (erf);
	v9 =	vmul.f32 v9, v12  }
0xcb: {  	[tilespmem:s17+$0x4B00] =	vst v17;
	v10 =	vmul.f32 v11, v10  }
0xcc: {  	[tilespmem:s16+$0x4B00] =	vst v7  }
0xcd: {  	p0 =	seq.s32 s21, $0x4;
	v8 =	vmul.f32 v8, v14;
	s4 =	rddreg [dreg:$0x14];
	v11 =	vpop (erf);
	[tilespmem:s11+$0x4B00] =	vst v10  }
0xce: {  	v12 =	vmul.f32 v13, v18;
	s4 =	sadd.s32 @!p0 s4, s25;
	v7 =	vmul.f32 v11, v9;
	v9 =	vpop (erf);
	s9 =	rddreg [dreg:$0x7]  }
0xcf: {  	p2 =	slt.u32 @!p0 s4, $0x271;
	v8 =	vmul.f32 v9, v8;
	v9 =	vpop (erf);
	s16 =	sor.u32 s9, s25  }
0xd0: {  	p2 =	por !p2, p0;
	[tilespmem:s2+$0x4B00] =	vst v7;
	s2 =	sadd.s32 @!p0 $0xFFFFFFE0, s4;
	v9 =	vmul.f32 v9, v12;
	s17 =	smul.u32 $0x190, s16  }
0xd1: {  	s4 =	smov.u32 @p2 s2;
	[tilespmem:s29+$0x4B00] =	vst v8  }
0xd2: {  	s19 =	simm.s32 $0x4B00;
	[tilespmem:s6+$0x4B00] =	vst v9;
	s18 =	sadd.s32 s7, s17;
	s6 =	smul.u32 @!p0 $0xC80, s4  }
0xd3: {  	[hbm4b:s18+s8] =	stream.linear.scatter [tilespmem:s19], [sflag:$0x2], $0xC80, $0x38;
	[tilespmem:$0x15F00] =	vst v63  }
0xd4: {  	s2 =	sshrl.u32 @!p0 s6, $0x3  }
0xd5: {  	s9 =	simm.s32 @!p0 $0x0;
	s6 =	sadd.s32 @!p0 s0, s2  }
0xd6: {  	[tilespmem:s9], [sflag:$0x1] =	stream.linear.gather @!p0 [hbm4b:s6+s9], $0xC80, $0x38;
	[tilespmem:$0x15F00] =	vst v63  }
0xd7: {  	s4 =	smul.u32 @!p0 $0x3200, s4;
	s2 =	sadd.s32 @!p0 s3, s2;
	s6 =	simm.s32 @!p0 $0xC80  }
0xd8: {  	[tilespmem:s6], [sflag:$0x1] =	stream.linear.gather @!p0 [hbm4b:s2+s9], $0xC80, $0x38;
	[tilespmem:$0x15F00] =	vst v63  }
0xd9: {  	s2 =	sshrl.u32 @!p0 s4, $0x3  }
0xda: {  	s4 =	simm.s32 @!p0 $0x1900;
	s2 =	sadd.s32 @!p0 s1, s2  }
0xdb: {  	[tilespmem:s4], [sflag:$0x1] =	stream.linear.gather @!p0 [hbm4b:s2+s9], $0x3200, $0x38;
	[tilespmem:$0x15F00] =	vst v63  }
0xdc: {  	_ =	swait.ge [sflag:s10], $0xC80  }
0xdd: {  	[sflag:s10] =	ssyncset.done $0x0  }
0xde: {  	[sflag:s10] =	ssyncadd.s32 $0xFFFFF380  }
0xdf: {  	_ =	swait.ge [sflag:s10], $0xC80  }
0xe0: {  	[sflag:s10] =	ssyncset.done $0x0  }
0xe1: {  	[sflag:s10] =	ssyncadd.s32 $0xFFFFF380  }
0xe2: {  	_ =	swait.ge [sflag:s10], $0x3200  }
0xe3: {  	s20 =	simm.s32 $0x0;
	[sflag:s10] =	ssyncset.done $0x0  }
0xe4: {  	s22 =	simm.s32 $0x0;
	s2 =	simm.s32 @!p1 $0x4;
	[sflag:s10] =	ssyncadd.s32 $0xFFFFCE00  }
0xe5: {  	s23 =	sand.u32 $0x40, s22;
	s4 =	sand.u32 $0x3E00, s20;
	_ =	swait.ge @!p1 [sflag:s2], $0xC80  }
0xe6: {  	s6 =	sor.u32 $0x20, s23;
	s4 =	sadd.s32 $0x7080, s4;
	[sflag:s2] =	ssyncset.done @!p1 $0x0  }
0xe7: {  	s24 =	sor.u32 $0x10, s23;
	s15 =	sor.u32 s6, s4;
	[sflag:s2] =	ssyncadd.s32 @!p1 $0xFFFFF380  }
0xe8: {  	s26 =	sor.u32 s24, s4;
	v7 =	vld [tilespmem:s15+$0x100]  }
0xe9: {  	v10 =	vld [tilespmem:s26+$0x80]  }
0xea: {  	s2 =	sor.u32 $0x30, s23;
	v13 =	vld [tilespmem:s26+$0x100]  }
0xeb: {  	s13 =	sor.u32 s2, s4;
	v14 =	vld [tilespmem:s26+$0x0]  }
0xec: {  	v8 =	vld [tilespmem:s13+$0x0]  }
0xed: {  	s4 =	sor.u32 s23, s4;
	v9 =	vld [tilespmem:s13+$0x100]  }
0xee: {  	v11 =	vld [tilespmem:s4+$0x0];
	v15 =	vmul.f32 v7, v6;
	v19 =	vmul.f32 v7, v5  }
0xef: {  	v17 =	vld [tilespmem:s13+$0x80];
	v20 =	vmul.f32 v10, v2;
	v24 =	vmul.f32 v13, v5  }
0xf0: {  	s28 =	sand.u32 $0xF80, s22;
	v12 =	vld [tilespmem:s4+$0x100];
	v25 =	vmul.f32 v14, v1;
	v26 =	vmul.f32 v10, v4  }
0xf1: {  	s30 =	simm.s32 $0x40;
	s19 =	sor.u32 s28, s24;
	v22 =	vld [tilespmem:s4+$0x80];
	s4 =	simm.s32 $0x100;
	v31 =	vmul.f32 v13, v6;
	v13 =	vmul.f32 v13, v13  }
0xf2: {  	s20 =	sand.u32 $0x40, s30;
	v30 =	vld [tilespmem:s19+$0x6400];
	s23 =	sand.u32 $0x3E00, s4;
	v7 =	vmul.f32 v7, v7;
	v16 =	vmul.f32 v9, v6  }
0xf3: {  	s18 =	simm.s32 $0x0;
	s11 =	sor.u32 $0x30, s20;
	s23 =	sadd.s32 $0x7080, s23;
	v18 =	vmul.f32 v9, v9;
	v21 =	vmul.f32 v11, v1  }
0xf4: {  	s24 =	sor.u32 $0x10, s20;
	v27 =	vld [tilespmem:s18+$0x6400];
	s26 =	sor.u32 s11, s23;
	v28 =	vmul.f32 v8, v1;
	v29 =	vmul.f32 v17, v4;
	v25 =	vadd.f32 v26, v25  }
0xf5: {  	s29 =	sor.u32 s24, s23;
	v59 =	vld [tilespmem:s26+$0x0];
	v23 =	vmul.f32 v12, v6;
	v9 =	vmul.f32 v9, v5;
	v20 =	vadd.f32 v31, v20  }
0xf6: {  	v56 =	vld [tilespmem:s29+$0x80];
	v26 =	vadd.f32 v29, v28;
	v24 =	vadd.f32 v24, v25;
	v25 =	vmul.f32 v22, v4  }
0xf7: {  	v31 =	vmul.f32 v7, v3;
	v28 =	vld [tilespmem:s15+$0x80];
	v10 =	vmul.f32 v20, v10  }
0xf8: {  	v29 =	vld [tilespmem:s15+$0x0];
	v7 =	vadd.f32 v9, v26;
	v9 =	vmul.f32 v12, v5;
	v21 =	vadd.f32 v25, v21  }
0xf9: {  	s9 =	sor.u32 $0x20, s20;
	v20 =	vld [tilespmem:s19+$0x5780];
	v12 =	vmul.f32 v12, v12;
	v14 =	vmul.f32 v24, v14  }
0xfa: {  	s22 =	sor.u32 s9, s23;
	v26 =	vld.idx.msk [tilespmem:v30+s5+$0x0], $0xffff;
	v39 =	vmul.f32 v59, v1;
	v25 =	vmul.f32 v7, v8;
	v8 =	vadd.f32 v9, v21  }
0xfb: {  	v30 =	vld [tilespmem:s22+$0x100];
	v9 =	vadd.f32 v10, v14;
	v10 =	vmul.f32 v13, v3;
	v14 =	vmul.f32 v17, v2  }
0xfc: {  	v24 =	vmul.f32 v22, v2;
	v7 =	vld [tilespmem:s18+$0x5780];
	v21 =	vmul.f32 v28, v2  }
0xfd: {  	v13 =	vld.idx.msk [tilespmem:v27+s5+$0x0], $0xffff;
	v27 =	vmul.f32 v8, v11;
	v8 =	vadd.f32 v9, v10;
	v9 =	vadd.f32 v16, v14  }
0xfe: {  	v10 =	vmul.f32 v28, v4;
	v11 =	vadd.f32 v15, v21;
	v15 =	vmul.f32 v29, v1  }
0xff: {  	v57 =	vmul.f32 v20, v26;
	v26 =	vmul.f32 v12, v3  }
0x100: {  	v20 =	vld [tilespmem:s29+$0x100];
	v8 =	vmul.f32 $1.442695020e+00, v8;
	v16 =	vmul.f32 v9, v17  }
0x101: {  	v58 =	vld [tilespmem:s29+$0x0];
	v21 =	vmul.f32 v11, v28;
	v9 =	vmul.f32 v30, v5  }
0x102: {  	s23 =	sor.u32 s20, s23;
	v14 =	vld [tilespmem:s26+$0x100];
	v28 =	vmul.f32 v56, v4;
	v7 =	vmul.f32 v7, v13;
	v13 =	vadd.f32 v23, v24  }
0x103: {  	s20 =	sor.u32 s28, s6;
	v11 =	vld [tilespmem:s23+$0x0];
	(erf) = vpow2.f32 v8;
	v8 =	vadd.f32 v10, v15;
	v10 =	vmul.f32 v30, v6  }
0x104: {  	v24 =	vld [tilespmem:s20+$0x6400];
	v16 =	vadd.f32 v16, v25;
	v25 =	vmul.f32 v56, v2;
	v13 =	vmul.f32 v13, v22  }
0x105: {  	v17 =	vld [tilespmem:s26+$0x80];
	v38 =	vmul.f32 v20, v5;
	v22 =	vmul.f32 v20, v6;
	v12 =	vadd.f32 v19, v8  }
0x106: {  	s6 =	sor.u32 s28, s2;
	v15 =	vld [tilespmem:s23+$0x100];
	v23 =	vmul.f32 v20, v20;
	v19 =	vmul.f32 v18, v3  }
0x107: {  	v18 =	vmul.f32 v14, v6;
	v12 =	vmul.f32 v12, v29;
	v29 =	vld [tilespmem:s6+$0x6400]  }
0x108: {  	v8 =	vmul.f32 v14, v14;
	v14 =	vmul.f32 v14, v5  }
0x109: {  	v60 =	vmul.f32 v11, v1;
	v40 =	vadd.f32 v22, v25;
	v12 =	vadd.f32 v21, v12  }
0x10a: {  	v20 =	vld [tilespmem:s20+$0x5780];
	v34 =	vmul.f32 v17, v2;
	v16 =	vadd.f32 v16, v19;
	v21 =	vadd.f32 v13, v27  }
0x10b: {  	v19 =	vmul.f32 v17, v4;
	v61 =	vmul.f32 v15, v6;
	v13 =	vld [tilespmem:s23+$0x80];
	v31 =	vadd.f32 v12, v31  }
0x10c: {  	v62 =	vmul.f32 v15, v5;
	v27 =	vmul.f32 v58, v1;
	v22 =	vld.idx.msk [tilespmem:v24+s5+$0x0], $0xffff;
	v26 =	vadd.f32 v21, v26  }
0x10d: {  	s29 =	simm.s32 $0x40;
	v24 =	vmul.f32 $1.442695020e+00, v16;
	v12 =	vld [tilespmem:s22+$0x0];
	v31 =	vmul.f32 $1.442695020e+00, v31  }
0x10e: {  	s28 =	sand.u32 $0xF80, s30;
	v27 =	vadd.f32 v28, v27;
	v28 =	vmul.f32 v30, v30;
	v30 =	vmul.f32 $1.442695020e+00, v26;
	v26 =	vld [tilespmem:s29+$0x6400]  }
0x10f: {  	s13 =	sor.u32 s28, s24;
	v33 =	vmul.f32 v40, v56;
	v19 =	vadd.f32 v19, v39;
	(erf) = vpow2.f32 v31;
	v25 =	vld.idx.msk [tilespmem:v29+s5+$0x0], $0xffff  }
0x110: {  	v31 =	vmul.f32 v13, v4;
	v29 =	vld [tilespmem:s13+$0x6400];
	(erf) = vpow2.f32 v24  }
0x111: {  	v21 =	vld [tilespmem:s6+$0x5780];
	v19 =	vadd.f32 v14, v19;
	v27 =	vadd.f32 v38, v27;
	(erf) = vpow2.f32 v30  }
0x112: {  	s2 =	sor.u32 s28, s11;
	v16 =	vmul.f32 v28, v3;
	v28 =	vld [tilespmem:s22+$0x80];
	v24 =	vmul.f32 v13, v2;
	v30 =	vadd.f32 v31, v60  }
0x113: {  	s11 =	sor.u32 s28, s9;
	v14 =	vld [tilespmem:s2+$0x6400];
	v63 =	vpop (erf);
	v31 =	vmul.f32 v27, v58;
	v27 =	vmul.f32 v19, v59  }
0x114: {  	v19 =	vld [tilespmem:s11+$0x6400];
	v24 =	vadd.f32 v61, v24;
	v32 =	vadd.f32 v62, v30;
	v30 =	vmul.f32 v63, v57  }
.LBB2_5:
0x115: {  	s30 =	sadd.s32 $0x40, s30;
	v35 =	vmul.f32 v15, v15;
	v36 =	vld [tilespmem:s13+$0x5780];
	v15 =	vadd.f32 v33, v31;
	v23 =	vmul.f32 v23, v3;
	s4 =	sadd.s32 $0x100, s4  }
0x116: {  	s23 =	sand.u32 $0x40, s30;
	s9 =	sand.u32 $0x3E00, s4;
	p2 =	slt.u32 s30, $0xC40;
	v31 =	vld [tilespmem:s29+$0x5780];
	v32 =	vmul.f32 v32, v11;
	v33 =	vadd.f32 v18, v34;
	[tilespmem:s19+$0xA280] =	vst v30;
	v18 =	vmul.f32 v21, v25  }
0x117: {  	v30 =	vmul.f32 v20, v22;
	s19 =	sadd.s32 $0x7080, s9;
	s26 =	sor.u32 $0x10, s23;
	s9 =	sor.u32 $0x20, s23;
	v21 =	vld.idx.msk [tilespmem:v26+s5+$0x0], $0xffff;
	v15 =	vadd.f32 v15, v23;
	v23 =	vmul.f32 v28, v2  }
0x118: {  	s22 =	sor.u32 $0x30, s23;
	v25 =	vmul.f32 v28, v4;
	s24 =	sor.u32 s26, s19;
	s15 =	sor.u32 s9, s19;
	v22 =	vld.idx.msk [tilespmem:v29+s5+$0x0], $0xffff;
	v17 =	vmul.f32 v33, v17;
	v11 =	vpop (erf)  }
0x119: {  	s23 =	sor.u32 s23, s19;
	s28 =	sor.u32 s22, s19;
	s19 =	smov.u32 s13;
	v26 =	vld [tilespmem:s15+$0x100];
	v15 =	vmul.f32 $1.442695020e+00, v15;
	v10 =	vadd.f32 v10, v23;
	v11 =	vmul.f32 v11, v30;
	v20 =	vpop (erf)  }
0x11a: {  	v23 =	vmul.f32 v12, v1;
	v30 =	vld [tilespmem:s28+$0x0];
	v18 =	vmul.f32 v20, v18;
	v20 =	vpop (erf)  }
0x11b: {  	v29 =	vld [tilespmem:s28+$0x100];
	v28 =	vmul.f32 v10, v28;
	v10 =	vmul.f32 v20, v7;
	[tilespmem:s20+$0xA280] =	vst v11;
	s20 =	smov.u32 s11  }
0x11c: {  	v33 =	vld [tilespmem:s24+$0x80];
	(erf) = vpow2.f32 v15;
	[tilespmem:s6+$0xA280] =	vst v18;
	s6 =	smov.u32 s2  }
0x11d: {  	v7 =	vmul.f32 v31, v21;
	v18 =	vadd.f32 v25, v23;
	v11 =	vld [tilespmem:s23+$0x0];
	[tilespmem:s18+$0xA280] =	vst v10;
	s18 =	smov.u32 s29  }
0x11e: {  	v36 =	vmul.f32 v36, v22;
	v15 =	vld [tilespmem:s23+$0x100];
	v10 =	vmul.f32 v26, v6  }
0x11f: {  	v21 =	vmul.f32 v35, v3;
	v23 =	vmul.f32 v8, v3;
	v22 =	vadd.f32 v9, v18;
	v20 =	vld [tilespmem:s24+$0x100]  }
0x120: {  	v25 =	vadd.f32 v17, v27;
	v31 =	vld [tilespmem:s24+$0x0];
	v18 =	vmul.f32 v29, v6;
	v8 =	vmul.f32 v29, v29  }
0x121: {  	v9 =	vmul.f32 v26, v5;
	v22 =	vmul.f32 v22, v12;
	v27 =	vld [tilespmem:s23+$0x80]  }
0x122: {  	v13 =	vmul.f32 v24, v13;
	v24 =	vadd.f32 v25, v23;
	v34 =	vmul.f32 v33, v2;
	v17 =	vld [tilespmem:s28+$0x80]  }
0x123: {  	v35 =	vmul.f32 v11, v1;
	v22 =	vadd.f32 v28, v22;
	v37 =	vmul.f32 v15, v6;
	v12 =	vld [tilespmem:s15+$0x0]  }
0x124: {  	v41 =	vadd.f32 v13, v32;
	v25 =	vmul.f32 v20, v5;
	v28 =	vmul.f32 v20, v6  }
0x125: {  	v38 =	vmul.f32 v33, v4;
	v16 =	vadd.f32 v22, v16;
	v32 =	vmul.f32 v31, v1;
	v39 =	vpop (erf)  }
0x126: {  	v40 =	vmul.f32 v30, v1;
	v23 =	vmul.f32 v20, v20;
	v22 =	vadd.f32 v41, v21;
	v20 =	vld [tilespmem:s20+$0x5780];
	v13 =	vmovc v27  }
0x127: {  	v27 =	vadd.f32 v38, v32;
	v32 =	vmul.f32 v17, v4;
	v38 =	vmul.f32 $1.442695020e+00, v16;
	v21 =	vld [tilespmem:s6+$0x5780]  }
0x128: {  	v34 =	vadd.f32 v28, v34;
	v28 =	vmul.f32 $1.442695020e+00, v22;
	v16 =	vmul.f32 v26, v26;
	v22 =	vld.idx.msk [tilespmem:v19+s5+$0x0], $0xffff  }
0x129: {  	s2 =	sand.u32 $0xF80, s30;
	s29 =	sshra.s32 s4, $0x2;
	v19 =	vadd.f32 v25, v27;
	v27 =	vmul.f32 v29, v5;
	v25 =	vld.idx.msk [tilespmem:v14+s5+$0x0], $0xffff;
	v14 =	vmul.f32 $1.442695020e+00, v24  }
0x12a: {  	s13 =	sor.u32 s2, s26;
	s11 =	sor.u32 s2, s9;
	s2 =	sor.u32 s2, s22;
	v16 =	vmul.f32 v16, v3;
	v24 =	vadd.f32 v32, v40;
	v26 =	vld [tilespmem:s29+$0x6400];
	(erf) = vpow2.f32 v38  }
.Ltmp3:
0x12b: {  	v32 =	vmul.f32 v13, v4;
	v29 =	vld [tilespmem:s13+$0x6400];
	(erf) = vpow2.f32 v14;
	(pc) =	sbr.rel @p2 .LBB2_5-.Ltmp3, $4  }
0x12c: {  	v38 =	vmul.f32 v13, v2;
	v27 =	vadd.f32 v27, v24;
	v14 =	vld [tilespmem:s2+$0x6400];
	(erf) = vpow2.f32 v28  }
0x12d: {  	v32 =	vadd.f32 v32, v35;
	v35 =	vmul.f32 v15, v5;
	v31 =	vmul.f32 v19, v31;
	v28 =	vld [tilespmem:s15+$0x80]  }
0x12e: {  	v33 =	vmul.f32 v34, v33;
	v24 =	vadd.f32 v37, v38;
	v27 =	vmul.f32 v27, v30;
	v19 =	vld [tilespmem:s11+$0x6400]  }
0x12f: {  	v34 =	vmul.f32 v17, v2;
	v32 =	vadd.f32 v35, v32;
	v30 =	vmul.f32 v39, v36  }
0x130: {  	_ =	sdelay $0x1  }
0x131: {  	v36 =	vmul.f32 v12, v1;
	v35 =	vmul.f32 v28, v4;
	_ =	sdelay $0x1  }
0x132: {  	v37 =	vmul.f32 v28, v2;
	v35 =	vadd.f32 v35, v36;
	_ =	sdelay $0x1  }
0x133: {  	v10 =	vadd.f32 v10, v37;
	v9 =	vadd.f32 v9, v35  }
0x134: {  	v15 =	vmul.f32 v15, v15;
	v18 =	vadd.f32 v18, v34  }
0x135: {  	v10 =	vmul.f32 v10, v28;
	v9 =	vmul.f32 v9, v12  }
0x136: {  	v23 =	vmul.f32 v23, v3;
	v17 =	vmul.f32 v18, v17;
	v12 =	vadd.f32 v33, v31  }
0x137: {  	v13 =	vmul.f32 v24, v13;
	v11 =	vmul.f32 v32, v11;
	v9 =	vadd.f32 v10, v9  }
0x138: {  	v8 =	vmul.f32 v8, v3;
	v10 =	vadd.f32 v12, v23;
	v12 =	vadd.f32 v17, v27  }
0x139: {  	v15 =	vmul.f32 v15, v3;
	v11 =	vadd.f32 v13, v11;
	v9 =	vadd.f32 v9, v16  }
0x13a: {  	v10 =	vmul.f32 $1.442695020e+00, v10;
	v8 =	vadd.f32 v12, v8  }
0x13b: {  	v11 =	vadd.f32 v11, v15;
	v9 =	vmul.f32 $1.442695020e+00, v9  }
0x13c: {  	v14 =	vld.idx.msk [tilespmem:v14+s5+$0x0], $0xffff;
	(erf) = vpow2.f32 v10;
	v8 =	vmul.f32 $1.442695020e+00, v8  }
0x13d: {  	v11 =	vmul.f32 $1.442695020e+00, v11;
	v12 =	vld [tilespmem:s13+$0x5780];
	(erf) = vpow2.f32 v9  }
0x13e: {  	v9 =	vld [tilespmem:s11+$0x5780];
	(erf) = vpow2.f32 v8  }
0x13f: {  	(erf) = vpow2.f32 v11;
	v11 =	vld.idx.msk [tilespmem:v19+s5+$0x0], $0xffff  }
0x140: {  	v10 =	vld.idx.msk [tilespmem:v29+s5+$0x0], $0xffff  }
0x141: {  	v13 =	vld [tilespmem:s29+$0x5780]  }
0x142: {  	v15 =	vmul.f32 v20, v22;
	v8 =	vld [tilespmem:s2+$0x5780]  }
0x143: {  	v18 =	vld.idx.msk [tilespmem:v26+s5+$0x0], $0xffff;
	v17 =	vmul.f32 v21, v25;
	v16 =	vpop (erf)  }
0x144: {  	v15 =	vmul.f32 v16, v15;
	v19 =	vpop (erf);
	v9 =	vmul.f32 v9, v11  }
0x145: {  	[tilespmem:s19+$0xA280] =	vst v30;
	v16 =	vpop (erf);
	v17 =	vmul.f32 v19, v17;
	v10 =	vmul.f32 v12, v10  }
0x146: {  	[tilespmem:s20+$0xA280] =	vst v15;
	v7 =	vmul.f32 v16, v7;
	v12 =	vpop (erf)  }
0x147: {  	[tilespmem:s6+$0xA280] =	vst v17;
	v8 =	vmul.f32 v8, v14;
	v10 =	vmul.f32 v12, v10;
	v11 =	vpop (erf)  }
0x148: {  	[tilespmem:s18+$0xA280] =	vst v7;
	v12 =	vmul.f32 v13, v18;
	v7 =	vmul.f32 v11, v9;
	v9 =	vpop (erf)  }
0x149: {  	s4 =	rddreg [dreg:$0x15];
	[tilespmem:s13+$0xA280] =	vst v10;
	v8 =	vmul.f32 v9, v8;
	v9 =	vpop (erf)  }
0x14a: {  	s4 =	sadd.s32 @!p0 s4, s25;
	[tilespmem:s11+$0xA280] =	vst v7;
	v9 =	vmul.f32 v9, v12  }
0x14b: {  	p2 =	slt.u32 @!p0 s4, $0x271;
	[tilespmem:s2+$0xA280] =	vst v8  }
0x14c: {  	s6 =	sadd.s32 @!p0 $0xFFFFFFE0, s4;
	p2 =	por !p2, p0;
	[tilespmem:s29+$0xA280] =	vst v9  }
0x14d: {  	s4 =	smov.u32 @p2 s6;
	s2 =	rddreg [dreg:$0x19]  }
0x14e: {  	s9 =	simm.s32 $0xA280;
	s6 =	smul.u32 @!p0 $0x190, s4;
	s2 =	sadd.s32 s2, s17  }
0x14f: {  	[hbm4b:s2+s8] =	stream.linear.scatter [tilespmem:s9], [sflag:$0x4], $0xC80, $0x38;
	[tilespmem:$0x15F00] =	vst v63  }
0x150: {  	s11 =	simm.s32 @!p0 $0x5780;
	s2 =	sadd.s32 @!p0 s0, s6;
	s9 =	simm.s32 @!p0 $0x0  }
0x151: {  	[tilespmem:s11], [sflag:$0x3] =	stream.linear.gather @!p0 [hbm4b:s2+s9], $0xC80, $0x38;
	[tilespmem:$0x15F00] =	vst v63  }
0x152: {  	s4 =	smul.u32 @!p0 $0x640, s4;
	s2 =	sadd.s32 @!p0 s3, s6;
	s6 =	simm.s32 @!p0 $0x6400  }
0x153: {  	[tilespmem:s6], [sflag:$0x3] =	stream.linear.gather @!p0 [hbm4b:s2+s9], $0xC80, $0x38;
	[tilespmem:$0x15F00] =	vst v63  }
0x154: {  	s2 =	sadd.s32 @!p0 s1, s4;
	s4 =	simm.s32 @!p0 $0x7080  }
0x155: {  	[tilespmem:s4], [sflag:$0x3] =	stream.linear.gather @!p0 [hbm4b:s2+s9], $0x3200, $0x38;
	[tilespmem:$0x15F00] =	vst v63  }
0x156: {  	_ =	swait.ge [sflag:s12], $0xC80  }
0x157: {  	[sflag:s12] =	ssyncset.done $0x0  }
0x158: {  	[sflag:s12] =	ssyncadd.s32 $0xFFFFF380  }
0x159: {  	_ =	swait.ge [sflag:s12], $0xC80  }
0x15a: {  	[sflag:s12] =	ssyncset.done $0x0  }
0x15b: {  	[sflag:s12] =	ssyncadd.s32 $0xFFFFF380  }
0x15c: {  	_ =	swait.ge [sflag:s12], $0x3200  }
0x15d: {  	s22 =	simm.s32 $0x0;
	[sflag:s12] =	ssyncset.done $0x0  }
0x15e: {  	s20 =	simm.s32 $0x0;
	s2 =	simm.s32 @!p1 $0x6;
	[sflag:s12] =	ssyncadd.s32 $0xFFFFCE00  }
0x15f: {  	s23 =	sand.u32 $0x40, s22;
	s4 =	sand.u32 $0x3E00, s20;
	_ =	swait.ge @!p1 [sflag:s2], $0xC80  }
0x160: {  	s11 =	sor.u32 $0x20, s23;
	s4 =	sadd.s32 $0xC800, s4;
	[sflag:s2] =	ssyncset.done @!p1 $0x0  }
0x161: {  	s26 =	sor.u32 $0x30, s23;
	s24 =	sor.u32 s11, s4;
	[sflag:s2] =	ssyncadd.s32 @!p1 $0xFFFFF380  }
0x162: {  	s15 =	sor.u32 s26, s4;
	v7 =	vld [tilespmem:s24+$0x100]  }
0x163: {  	s28 =	sor.u32 $0x10, s23;
	v8 =	vld [tilespmem:s15+$0x0]  }
0x164: {  	s19 =	sor.u32 s28, s4;
	v9 =	vld [tilespmem:s15+$0x100]  }
0x165: {  	s4 =	sor.u32 s23, s4;
	v10 =	vld [tilespmem:s19+$0x80]  }
0x166: {  	v11 =	vld [tilespmem:s4+$0x0]  }
0x167: {  	v12 =	vld [tilespmem:s4+$0x100]  }
0x168: {  	v14 =	vld [tilespmem:s19+$0x0]  }
0x169: {  	v17 =	vld [tilespmem:s15+$0x80];
	v15 =	vmul.f32 v7, v6  }
0x16a: {  	v13 =	vld [tilespmem:s19+$0x100];
	v16 =	vmul.f32 v9, v6;
	v18 =	vmul.f32 v9, v9  }
0x16b: {  	v19 =	vmul.f32 v7, v5;
	v20 =	vmul.f32 v10, v2  }
0x16c: {  	v22 =	vld [tilespmem:s4+$0x80];
	v21 =	vmul.f32 v11, v1;
	v23 =	vmul.f32 v12, v6  }
0x16d: {  	s17 =	simm.s32 $0x0;
	s20 =	sand.u32 $0xF80, s22;
	v25 =	vmul.f32 v14, v1;
	v26 =	vmul.f32 v10, v4  }
0x16e: {  	v27 =	vld [tilespmem:s17+$0xBB80];
	s19 =	sor.u32 s20, s28;
	v28 =	vmul.f32 v8, v1;
	v29 =	vmul.f32 v17, v4  }
0x16f: {  	v30 =	vld [tilespmem:s19+$0xBB80];
	v24 =	vmul.f32 v13, v5;
	v31 =	vmul.f32 v13, v6;
	v25 =	vadd.f32 v26, v25  }
0x170: {  	s6 =	simm.s32 $0x100;
	s4 =	simm.s32 $0x40;
	v7 =	vmul.f32 v7, v7;
	v9 =	vmul.f32 v9, v5;
	v26 =	vld [tilespmem:s24+$0x0];
	v28 =	vadd.f32 v29, v28  }
0x171: {  	s18 =	sor.u32 s20, s26;
	s22 =	sand.u32 $0x40, s4;
	v20 =	vadd.f32 v31, v20;
	v29 =	vld [tilespmem:s24+$0x80];
	s24 =	sand.u32 $0x3E00, s6;
	v24 =	vadd.f32 v24, v25;
	v25 =	vmul.f32 v22, v4  }
0x172: {  	s20 =	sor.u32 s20, s11;
	s11 =	sor.u32 $0x10, s22;
	v13 =	vmul.f32 v13, v13;
	v31 =	vmul.f32 v7, v3;
	s23 =	sadd.s32 $0xC800, s24;
	v7 =	vadd.f32 v9, v28  }
0x173: {  	v9 =	vmul.f32 v12, v5;
	v10 =	vmul.f32 v20, v10;
	v20 =	vld [tilespmem:s19+$0xAF00];
	s24 =	sor.u32 s11, s23;
	v21 =	vadd.f32 v25, v21  }
0x174: {  	v28 =	vmul.f32 v12, v12;
	v56 =	vld [tilespmem:s24+$0x80];
	v14 =	vmul.f32 v24, v14  }
0x175: {  	v24 =	vmul.f32 v22, v2;
	v25 =	vmul.f32 v7, v8;
	v7 =	vld [tilespmem:s17+$0xAF00];
	v8 =	vadd.f32 v9, v21  }
0x176: {  	v9 =	vadd.f32 v10, v14;
	v10 =	vmul.f32 v13, v3;
	v13 =	vld.idx.msk [tilespmem:v27+s5+$0x0], $0xffff;
	v14 =	vmul.f32 v17, v2  }
0x177: {  	s2 =	sor.u32 $0x20, s22;
	v21 =	vmul.f32 v29, v2;
	v27 =	vld.idx.msk [tilespmem:v30+s5+$0x0], $0xffff;
	v23 =	vadd.f32 v23, v24;
	v11 =	vmul.f32 v8, v11  }
0x178: {  	v54 =	vld [tilespmem:s18+$0xBB80];
	s9 =	sor.u32 s2, s23;
	v8 =	vadd.f32 v9, v10;
	v9 =	vadd.f32 v16, v14;
	v10 =	vmul.f32 v29, v4  }
0x179: {  	s13 =	sor.u32 $0x30, s22;
	s22 =	sor.u32 s22, s23;
	v30 =	vld [tilespmem:s9+$0x100];
	v12 =	vadd.f32 v15, v21;
	v14 =	vmul.f32 v26, v1;
	v22 =	vmul.f32 v23, v22  }
0x17a: {  	v16 =	vld [tilespmem:s22+$0x100];
	v39 =	vmul.f32 v56, v4;
	v8 =	vmul.f32 $1.442695020e+00, v8  }
0x17b: {  	v55 =	vld [tilespmem:s20+$0xBB80];
	s26 =	sor.u32 s13, s23;
	v17 =	vmul.f32 v9, v17;
	v21 =	vmul.f32 v12, v29  }
0x17c: {  	v15 =	vld [tilespmem:s26+$0x100];
	v7 =	vmul.f32 v7, v13;
	v57 =	vmul.f32 v20, v27  }
0x17d: {  	v12 =	vld [tilespmem:s22+$0x0];
	v20 =	vmul.f32 v28, v3;
	(erf) = vpow2.f32 v8;
	v8 =	vadd.f32 v10, v14  }
0x17e: {  	v22 =	vadd.f32 v22, v11;
	v27 =	vld [tilespmem:s24+$0x0];
	v9 =	vmul.f32 v30, v5;
	v10 =	vmul.f32 v30, v6  }
0x17f: {  	v14 =	vld [tilespmem:s24+$0x100];
	v30 =	vmul.f32 v30, v30;
	v59 =	vmul.f32 v16, v6;
	v13 =	vadd.f32 v19, v8  }
0x180: {  	v58 =	vld [tilespmem:s26+$0x0];
	v24 =	vadd.f32 v17, v25;
	v63 =	vmul.f32 v16, v5;
	v19 =	vmul.f32 v18, v3  }
0x181: {  	v17 =	vld [tilespmem:s26+$0x80];
	v22 =	vadd.f32 v22, v20;
	v18 =	vmul.f32 v15, v6;
	v13 =	vmul.f32 v13, v26  }
0x182: {  	v8 =	vmul.f32 v15, v15;
	v29 =	vmul.f32 v12, v1  }
0x183: {  	v60 =	vmul.f32 $1.442695020e+00, v22;
	v26 =	vmul.f32 v56, v2;
	v21 =	vadd.f32 v21, v13  }
0x184: {  	v11 =	vld [tilespmem:s9+$0x0];
	v38 =	vmul.f32 v27, v1;
	v19 =	vadd.f32 v24, v19;
	v28 =	vmul.f32 v14, v5  }
0x185: {  	v23 =	vmul.f32 v14, v6;
	v25 =	vmul.f32 v14, v14;
	v13 =	vld [tilespmem:s22+$0x80];
	v21 =	vadd.f32 v21, v31  }
0x186: {  	v20 =	vld [tilespmem:s20+$0xAF00];
	v14 =	vmul.f32 v58, v1;
	v24 =	vmul.f32 v17, v4  }
0x187: {  	v22 =	vld.idx.msk [tilespmem:v55+s5+$0x0], $0xffff;
	v38 =	vadd.f32 v39, v38;
	v19 =	vmul.f32 $1.442695020e+00, v19;
	v31 =	vmul.f32 $1.442695020e+00, v21  }
0x188: {  	s30 =	simm.s32 $0x40;
	s28 =	sand.u32 $0xF80, s4;
	v40 =	vadd.f32 v23, v26;
	v26 =	vmul.f32 v15, v5;
	v23 =	vld.idx.msk [tilespmem:v54+s5+$0x0], $0xffff;
	v15 =	vmul.f32 v30, v3  }
0x189: {  	s11 =	sor.u32 s28, s11;
	v14 =	vadd.f32 v24, v14;
	v24 =	vld [tilespmem:s30+$0xBB80];
	v30 =	vadd.f32 v28, v38;
	(erf) = vpow2.f32 v31  }
0x18a: {  	v28 =	vld [tilespmem:s11+$0xBB80];
	v31 =	vmul.f32 v13, v4;
	(erf) = vpow2.f32 v19  }
0x18b: {  	v34 =	vmul.f32 v17, v2;
	v61 =	vadd.f32 v26, v14;
	v21 =	vld [tilespmem:s18+$0xAF00];
	(erf) = vpow2.f32 v60  }
0x18c: {  	s29 =	sor.u32 s28, s13;
	v33 =	vmul.f32 v40, v56;
	v19 =	vmul.f32 v13, v2;
	v62 =	vadd.f32 v31, v29;
	v29 =	vld [tilespmem:s9+$0x80]  }
0x18d: {  	s2 =	sor.u32 s28, s2;
	v14 =	vld [tilespmem:s29+$0xBB80];
	v31 =	vmul.f32 v30, v27;
	v30 =	vpop (erf);
	v27 =	vmul.f32 v61, v58  }
0x18e: {  	v26 =	vadd.f32 v59, v19;
	v19 =	vld [tilespmem:s2+$0xBB80];
	v30 =	vmul.f32 v30, v57;
	v32 =	vadd.f32 v63, v62  }
.LBB2_7:
0x18f: {  	s4 =	sadd.s32 $0x40, s4;
	v35 =	vmul.f32 v16, v16;
	v36 =	vld [tilespmem:s11+$0xAF00];
	v16 =	vadd.f32 v33, v31;
	v25 =	vmul.f32 v25, v3;
	s6 =	sadd.s32 $0x100, s6  }
0x190: {  	s23 =	sand.u32 $0x40, s4;
	s9 =	sand.u32 $0x3E00, s6;
	p2 =	slt.u32 s4, $0xC40;
	v31 =	vld [tilespmem:s30+$0xAF00];
	v32 =	vmul.f32 v32, v12;
	v33 =	vadd.f32 v18, v34;
	[tilespmem:s19+$0xFA00] =	vst v30;
	v18 =	vmul.f32 v21, v23  }
0x191: {  	s19 =	sadd.s32 $0xC800, s9;
	s9 =	sor.u32 $0x10, s23;
	s15 =	sor.u32 $0x20, s23;
	v21 =	vld.idx.msk [tilespmem:v24+s5+$0x0], $0xffff;
	v16 =	vadd.f32 v16, v25;
	v23 =	vmul.f32 v29, v2;
	v25 =	vmul.f32 v20, v22  }
0x192: {  	s22 =	sor.u32 $0x30, s23;
	v24 =	vmul.f32 v29, v4;
	s24 =	sor.u32 s9, s19;
	s13 =	sor.u32 s15, s19;
	v22 =	vld.idx.msk [tilespmem:v28+s5+$0x0], $0xffff;
	v17 =	vmul.f32 v33, v17;
	v12 =	vpop (erf)  }
0x193: {  	s23 =	sor.u32 s23, s19;
	s26 =	sor.u32 s22, s19;
	s19 =	smov.u32 s11;
	v28 =	vld [tilespmem:s13+$0x100];
	v16 =	vmul.f32 $1.442695020e+00, v16;
	v10 =	vadd.f32 v10, v23;
	v12 =	vmul.f32 v12, v25;
	v20 =	vpop (erf)  }
0x194: {  	v23 =	vmul.f32 v11, v1;
	v30 =	vld [tilespmem:s26+$0x0];
	v18 =	vmul.f32 v20, v18;
	v20 =	vpop (erf)  }
0x195: {  	v33 =	vld [tilespmem:s26+$0x100];
	v25 =	vmul.f32 v10, v29;
	v10 =	vmul.f32 v20, v7;
	[tilespmem:s20+$0xFA00] =	vst v12;
	s20 =	smov.u32 s2  }
0x196: {  	v34 =	vld [tilespmem:s24+$0x80];
	(erf) = vpow2.f32 v16;
	[tilespmem:s18+$0xFA00] =	vst v18;
	s18 =	smov.u32 s29  }
0x197: {  	v7 =	vmul.f32 v31, v21;
	v18 =	vadd.f32 v24, v23;
	v12 =	vld [tilespmem:s23+$0x0];
	[tilespmem:s17+$0xFA00] =	vst v10;
	s17 =	smov.u32 s30  }
0x198: {  	v36 =	vmul.f32 v36, v22;
	v16 =	vld [tilespmem:s23+$0x100];
	v10 =	vmul.f32 v28, v6  }
0x199: {  	v21 =	vmul.f32 v35, v3;
	v23 =	vmul.f32 v8, v3;
	v22 =	vadd.f32 v9, v18;
	v20 =	vld [tilespmem:s24+$0x100]  }
0x19a: {  	v24 =	vadd.f32 v17, v27;
	v29 =	vld [tilespmem:s24+$0x0];
	v18 =	vmul.f32 v33, v6;
	v8 =	vmul.f32 v33, v33  }
0x19b: {  	v9 =	vmul.f32 v28, v5;
	v22 =	vmul.f32 v22, v11;
	v27 =	vld [tilespmem:s23+$0x80]  }
0x19c: {  	v13 =	vmul.f32 v26, v13;
	v24 =	vadd.f32 v24, v23;
	v31 =	vmul.f32 v34, v2;
	v17 =	vld [tilespmem:s26+$0x80]  }
0x19d: {  	v26 =	vmul.f32 v12, v1;
	v22 =	vadd.f32 v25, v22;
	v35 =	vmul.f32 v16, v6;
	v11 =	vld [tilespmem:s13+$0x0]  }
0x19e: {  	v41 =	vadd.f32 v13, v32;
	v23 =	vmul.f32 v20, v5;
	v37 =	vmul.f32 v20, v6  }
0x19f: {  	v38 =	vmul.f32 v34, v4;
	v15 =	vadd.f32 v22, v15;
	v32 =	vmul.f32 v29, v1;
	v39 =	vpop (erf)  }
0x1a0: {  	v40 =	vmul.f32 v30, v1;
	v25 =	vmul.f32 v20, v20;
	v22 =	vadd.f32 v41, v21;
	v20 =	vld [tilespmem:s20+$0xAF00];
	v13 =	vmovc v27  }
0x1a1: {  	v27 =	vadd.f32 v38, v32;
	v32 =	vmul.f32 v17, v4;
	v38 =	vmul.f32 $1.442695020e+00, v15;
	v21 =	vld [tilespmem:s18+$0xAF00]  }
0x1a2: {  	v37 =	vadd.f32 v37, v31;
	v31 =	vmul.f32 $1.442695020e+00, v22;
	v15 =	vmul.f32 v28, v28;
	v22 =	vld.idx.msk [tilespmem:v19+s5+$0x0], $0xffff  }
0x1a3: {  	s30 =	sshra.s32 s6, $0x2;
	s23 =	sand.u32 $0xF80, s4;
	v19 =	vadd.f32 v23, v27;
	v27 =	vmul.f32 v33, v5;
	v23 =	vld.idx.msk [tilespmem:v14+s5+$0x0], $0xffff;
	v14 =	vmul.f32 $1.442695020e+00, v24  }
0x1a4: {  	s11 =	sor.u32 s23, s9;
	s2 =	sor.u32 s23, s15;
	s29 =	sor.u32 s23, s22;
	v15 =	vmul.f32 v15, v3;
	v32 =	vadd.f32 v32, v40;
	v24 =	vld [tilespmem:s30+$0xBB80];
	(erf) = vpow2.f32 v38  }
.Ltmp4:
0x1a5: {  	v33 =	vmul.f32 v13, v4;
	v28 =	vld [tilespmem:s11+$0xBB80];
	(erf) = vpow2.f32 v14;
	(pc) =	sbr.rel @p2 .LBB2_7-.Ltmp4, $4  }
0x1a6: {  	v38 =	vmul.f32 v13, v2;
	v27 =	vadd.f32 v27, v32;
	v14 =	vld [tilespmem:s29+$0xBB80];
	(erf) = vpow2.f32 v31  }
0x1a7: {  	v40 =	vmul.f32 v16, v5;
	v32 =	vadd.f32 v33, v26;
	v31 =	vmul.f32 v19, v29;
	v29 =	vld [tilespmem:s13+$0x80]  }
0x1a8: {  	v33 =	vmul.f32 v37, v34;
	v26 =	vadd.f32 v35, v38;
	v27 =	vmul.f32 v27, v30;
	v19 =	vld [tilespmem:s2+$0xBB80]  }
0x1a9: {  	v34 =	vmul.f32 v17, v2;
	v32 =	vadd.f32 v40, v32;
	v30 =	vmul.f32 v39, v36  }
0x1aa: {  	_ =	sdelay $0x1  }
0x1ab: {  	v36 =	vmul.f32 v11, v1;
	v35 =	vmul.f32 v29, v4;
	_ =	sdelay $0x1  }
0x1ac: {  	v37 =	vmul.f32 v29, v2;
	v35 =	vadd.f32 v35, v36;
	_ =	sdelay $0x1  }
0x1ad: {  	v10 =	vadd.f32 v10, v37;
	v9 =	vadd.f32 v9, v35  }
0x1ae: {  	v16 =	vmul.f32 v16, v16;
	v18 =	vadd.f32 v18, v34  }
0x1af: {  	v10 =	vmul.f32 v10, v29;
	v9 =	vmul.f32 v9, v11  }
0x1b0: {  	v25 =	vmul.f32 v25, v3;
	v17 =	vmul.f32 v18, v17;
	v11 =	vadd.f32 v33, v31  }
0x1b1: {  	v13 =	vmul.f32 v26, v13;
	v12 =	vmul.f32 v32, v12;
	v9 =	vadd.f32 v10, v9  }
0x1b2: {  	v8 =	vmul.f32 v8, v3;
	v10 =	vadd.f32 v11, v25;
	v11 =	vadd.f32 v17, v27  }
0x1b3: {  	v16 =	vmul.f32 v16, v3;
	v12 =	vadd.f32 v13, v12;
	v9 =	vadd.f32 v9, v15  }
0x1b4: {  	v10 =	vmul.f32 $1.442695020e+00, v10;
	v8 =	vadd.f32 v11, v8  }
0x1b5: {  	v12 =	vadd.f32 v12, v16;
	v9 =	vmul.f32 $1.442695020e+00, v9  }
0x1b6: {  	v14 =	vld.idx.msk [tilespmem:v14+s5+$0x0], $0xffff;
	(erf) = vpow2.f32 v10;
	v8 =	vmul.f32 $1.442695020e+00, v8  }
0x1b7: {  	v12 =	vmul.f32 $1.442695020e+00, v12;
	v11 =	vld [tilespmem:s11+$0xAF00];
	(erf) = vpow2.f32 v9  }
0x1b8: {  	v9 =	vld [tilespmem:s2+$0xAF00];
	(erf) = vpow2.f32 v8  }
0x1b9: {  	(erf) = vpow2.f32 v12;
	v12 =	vld.idx.msk [tilespmem:v19+s5+$0x0], $0xffff  }
0x1ba: {  	v15 =	vmul.f32 v20, v22;
	v10 =	vld.idx.msk [tilespmem:v28+s5+$0x0], $0xffff  }
0x1bb: {  	v13 =	vld [tilespmem:s30+$0xAF00];
	v16 =	vpop (erf);
	v17 =	vmul.f32 v21, v23  }
0x1bc: {  	v15 =	vmul.f32 v16, v15;
	v8 =	vld [tilespmem:s29+$0xAF00];
	v19 =	vpop (erf)  }
0x1bd: {  	[tilespmem:s19+$0xFA00] =	vst v30;
	v18 =	vld.idx.msk [tilespmem:v24+s5+$0x0], $0xffff;
	v16 =	vpop (erf);
	v17 =	vmul.f32 v19, v17  }
0x1be: {  	[tilespmem:s20+$0xFA00] =	vst v15;
	v7 =	vmul.f32 v16, v7;
	v9 =	vmul.f32 v9, v12  }
0x1bf: {  	v10 =	vmul.f32 v11, v10;
	[tilespmem:s18+$0xFA00] =	vst v17  }
0x1c0: {  	[tilespmem:s17+$0xFA00] =	vst v7;
	v11 =	vpop (erf)  }
0x1c1: {  	v8 =	vmul.f32 v8, v14;
	s4 =	rddreg [dreg:$0x16];
	v10 =	vmul.f32 v11, v10;
	v11 =	vpop (erf)  }
0x1c2: {  	v12 =	vmul.f32 v13, v18;
	s4 =	sadd.s32 @!p0 s4, s25;
	v7 =	vmul.f32 v11, v9;
	v9 =	vpop (erf)  }
0x1c3: {  	s17 =	sor.u32 $0x40, s16;
	p2 =	slt.u32 @!p0 s4, $0x271;
	[tilespmem:s11+$0xFA00] =	vst v10;
	v8 =	vmul.f32 v9, v8;
	v9 =	vpop (erf)  }
0x1c4: {  	s24 =	smul.u32 $0x190, s17;
	s6 =	sadd.s32 @!p0 $0xFFFFFFE0, s4;
	p2 =	por !p2, p0;
	[tilespmem:s2+$0xFA00] =	vst v7;
	v9 =	vmul.f32 v9, v12  }
0x1c5: {  	s4 =	smov.u32 @p2 s6;
	[tilespmem:s29+$0xFA00] =	vst v8  }
0x1c6: {  	s9 =	simm.s32 $0xFA00;
	s2 =	sadd.s32 s7, s24;
	s6 =	smul.u32 @!p0 $0x190, s4;
	[tilespmem:s30+$0xFA00] =	vst v9  }
0x1c7: {  	[hbm4b:s2+s8] =	stream.linear.scatter [tilespmem:s9], [sflag:$0x6], $0xC80, $0x38;
	[tilespmem:$0x15F00] =	vst v63  }
0x1c8: {  	s11 =	simm.s32 @!p0 $0xAF00;
	s2 =	sadd.s32 @!p0 s0, s6;
	s9 =	simm.s32 @!p0 $0x0  }
0x1c9: {  	[tilespmem:s11], [sflag:$0x5] =	stream.linear.gather @!p0 [hbm4b:s2+s9], $0xC80, $0x38;
	[tilespmem:$0x15F00] =	vst v63  }
0x1ca: {  	s4 =	smul.u32 @!p0 $0x640, s4;
	s2 =	sadd.s32 @!p0 s3, s6;
	s6 =	simm.s32 @!p0 $0xBB80  }
0x1cb: {  	[tilespmem:s6], [sflag:$0x5] =	stream.linear.gather @!p0 [hbm4b:s2+s9], $0xC80, $0x38;
	[tilespmem:$0x15F00] =	vst v63  }
0x1cc: {  	s2 =	sadd.s32 @!p0 s1, s4;
	s4 =	simm.s32 @!p0 $0xC800  }
0x1cd: {  	[tilespmem:s4], [sflag:$0x5] =	stream.linear.gather @!p0 [hbm4b:s2+s9], $0x3200, $0x38;
	[tilespmem:$0x15F00] =	vst v63  }
0x1ce: {  	_ =	swait.ge [sflag:s14], $0xC80  }
0x1cf: {  	[sflag:s14] =	ssyncset.done $0x0  }
0x1d0: {  	[sflag:s14] =	ssyncadd.s32 $0xFFFFF380  }
0x1d1: {  	_ =	swait.ge [sflag:s14], $0xC80  }
0x1d2: {  	[sflag:s14] =	ssyncset.done $0x0  }
0x1d3: {  	[sflag:s14] =	ssyncadd.s32 $0xFFFFF380  }
0x1d4: {  	_ =	swait.ge [sflag:s14], $0x3200  }
0x1d5: {  	s26 =	simm.s32 $0x0;
	[sflag:s14] =	ssyncset.done $0x0  }
0x1d6: {  	s28 =	simm.s32 $0x0;
	s4 =	simm.s32 @!p1 $0x8;
	[sflag:s14] =	ssyncadd.s32 $0xFFFFCE00  }
0x1d7: {  	s18 =	sand.u32 $0x40, s28;
	s2 =	sand.u32 $0x3E00, s26;
	_ =	swait.ge @!p1 [sflag:s4], $0xC80  }
0x1d8: {  	s20 =	sor.u32 $0x20, s18;
	s19 =	sadd.s32 $0x11F80, s2;
	[sflag:s4] =	ssyncset.done @!p1 $0x0  }
0x1d9: {  	s13 =	sor.u32 $0x30, s18;
	s22 =	sor.u32 s20, s19;
	[sflag:s4] =	ssyncadd.s32 @!p1 $0xFFFFF380  }
0x1da: {  	s15 =	sor.u32 s13, s19;
	v7 =	vld [tilespmem:s22+$0x100]  }
0x1db: {  	s23 =	sor.u32 $0x10, s18;
	v8 =	vld [tilespmem:s15+$0x0]  }
0x1dc: {  	s24 =	sor.u32 s23, s19;
	v9 =	vld [tilespmem:s15+$0x100]  }
0x1dd: {  	s9 =	sor.u32 s18, s19;
	v10 =	vld [tilespmem:s24+$0x80]  }
0x1de: {  	v11 =	vld [tilespmem:s9+$0x0]  }
0x1df: {  	v12 =	vld [tilespmem:s9+$0x100]  }
0x1e0: {  	v14 =	vld [tilespmem:s24+$0x0]  }
0x1e1: {  	v17 =	vld [tilespmem:s15+$0x80];
	v15 =	vmul.f32 v7, v6  }
0x1e2: {  	v13 =	vld [tilespmem:s24+$0x100];
	v16 =	vmul.f32 v9, v6;
	v18 =	vmul.f32 v9, v9  }
0x1e3: {  	v19 =	vmul.f32 v7, v5;
	v20 =	vmul.f32 v10, v2  }
0x1e4: {  	s26 =	sand.u32 $0xF80, s28;
	s18 =	simm.s32 $0x0;
	v22 =	vld [tilespmem:s9+$0x80];
	v21 =	vmul.f32 v11, v1;
	v23 =	vmul.f32 v12, v6  }
0x1e5: {  	s30 =	sor.u32 s26, s23;
	v27 =	vld [tilespmem:s18+$0x11300];
	v25 =	vmul.f32 v14, v1;
	v26 =	vmul.f32 v10, v4  }
0x1e6: {  	s6 =	simm.s32 $0x100;
	s4 =	simm.s32 $0x40;
	v30 =	vld [tilespmem:s30+$0x11300];
	v28 =	vmul.f32 v8, v1;
	v29 =	vmul.f32 v17, v4  }
0x1e7: {  	s19 =	sor.u32 s26, s13;
	s28 =	sand.u32 $0x40, s4;
	s24 =	sand.u32 $0x3E00, s6;
	v24 =	vmul.f32 v13, v5;
	v31 =	vmul.f32 v13, v6;
	v25 =	vadd.f32 v26, v25;
	v26 =	vld [tilespmem:s22+$0x0]  }
0x1e8: {  	s20 =	sor.u32 s26, s20;
	s26 =	sor.u32 $0x10, s28;
	v7 =	vmul.f32 v7, v7;
	v9 =	vmul.f32 v9, v5;
	v28 =	vadd.f32 v29, v28;
	v29 =	vld [tilespmem:s22+$0x80];
	s22 =	sadd.s32 $0x11F80, s24  }
0x1e9: {  	v20 =	vadd.f32 v31, v20;
	s24 =	sor.u32 s26, s22;
	v24 =	vadd.f32 v24, v25;
	v25 =	vmul.f32 v22, v4  }
0x1ea: {  	v13 =	vmul.f32 v13, v13;
	v31 =	vmul.f32 v7, v3;
	v7 =	vadd.f32 v9, v28;
	v56 =	vld [tilespmem:s24+$0x80]  }
0x1eb: {  	v9 =	vmul.f32 v12, v5;
	v10 =	vmul.f32 v20, v10;
	v21 =	vadd.f32 v25, v21  }
0x1ec: {  	v20 =	vld [tilespmem:s30+$0x10680];
	v28 =	vmul.f32 v12, v12;
	v14 =	vmul.f32 v24, v14  }
0x1ed: {  	v24 =	vmul.f32 v22, v2;
	v25 =	vmul.f32 v7, v8;
	v7 =	vld [tilespmem:s18+$0x10680];
	v8 =	vadd.f32 v9, v21  }
0x1ee: {  	v9 =	vadd.f32 v10, v14;
	v10 =	vmul.f32 v13, v3;
	v13 =	vld.idx.msk [tilespmem:v27+s5+$0x0], $0xffff;
	v14 =	vmul.f32 v17, v2  }
0x1ef: {  	s9 =	sor.u32 $0x20, s28;
	v21 =	vmul.f32 v29, v2;
	v27 =	vld.idx.msk [tilespmem:v30+s5+$0x0], $0xffff;
	v23 =	vadd.f32 v23, v24;
	v39 =	vmul.f32 v56, v4  }
0x1f0: {  	v54 =	vld [tilespmem:s19+$0x11300];
	s15 =	sor.u32 s9, s22;
	v11 =	vmul.f32 v8, v11;
	v8 =	vadd.f32 v9, v10;
	v9 =	vadd.f32 v16, v14  }
0x1f1: {  	s13 =	sor.u32 s28, s22;
	v30 =	vld [tilespmem:s15+$0x100];
	v10 =	vmul.f32 v29, v4;
	v12 =	vadd.f32 v15, v21;
	v14 =	vmul.f32 v26, v1  }
0x1f2: {  	s2 =	sor.u32 $0x30, s28;
	v16 =	vld [tilespmem:s13+$0x100];
	v22 =	vmul.f32 v23, v22;
	v8 =	vmul.f32 $1.442695020e+00, v8  }
0x1f3: {  	v55 =	vld [tilespmem:s20+$0x11300];
	s23 =	sor.u32 s2, s22;
	v17 =	vmul.f32 v9, v17;
	v21 =	vmul.f32 v12, v29  }
0x1f4: {  	v15 =	vld [tilespmem:s23+$0x100];
	v7 =	vmul.f32 v7, v13;
	v57 =	vmul.f32 v20, v27  }
0x1f5: {  	v12 =	vld [tilespmem:s13+$0x0];
	v20 =	vmul.f32 v28, v3;
	(erf) = vpow2.f32 v8;
	v8 =	vadd.f32 v10, v14  }
0x1f6: {  	v22 =	vadd.f32 v22, v11;
	v27 =	vld [tilespmem:s24+$0x0];
	v9 =	vmul.f32 v30, v5;
	v10 =	vmul.f32 v30, v6  }
0x1f7: {  	v14 =	vld [tilespmem:s24+$0x100];
	v30 =	vmul.f32 v30, v30;
	v59 =	vmul.f32 v16, v6;
	v13 =	vadd.f32 v19, v8  }
0x1f8: {  	v58 =	vld [tilespmem:s23+$0x0];
	v24 =	vadd.f32 v17, v25;
	v63 =	vmul.f32 v16, v5;
	v19 =	vmul.f32 v18, v3  }
0x1f9: {  	v17 =	vld [tilespmem:s23+$0x80];
	v22 =	vadd.f32 v22, v20;
	v18 =	vmul.f32 v15, v6;
	v13 =	vmul.f32 v13, v26  }
0x1fa: {  	v8 =	vmul.f32 v15, v15;
	v29 =	vmul.f32 v12, v1  }
0x1fb: {  	v60 =	vmul.f32 $1.442695020e+00, v22;
	v26 =	vmul.f32 v56, v2;
	v21 =	vadd.f32 v21, v13  }
0x1fc: {  	v11 =	vld [tilespmem:s15+$0x0];
	v38 =	vmul.f32 v27, v1;
	v19 =	vadd.f32 v24, v19;
	v28 =	vmul.f32 v14, v5  }
0x1fd: {  	v23 =	vmul.f32 v14, v6;
	v25 =	vmul.f32 v14, v14;
	v13 =	vld [tilespmem:s13+$0x80];
	v21 =	vadd.f32 v21, v31  }
0x1fe: {  	v20 =	vld [tilespmem:s20+$0x10680];
	v14 =	vmul.f32 v58, v1;
	v24 =	vmul.f32 v17, v4  }
0x1ff: {  	v22 =	vld.idx.msk [tilespmem:v55+s5+$0x0], $0xffff;
	v38 =	vadd.f32 v39, v38;
	v19 =	vmul.f32 $1.442695020e+00, v19;
	v31 =	vmul.f32 $1.442695020e+00, v21  }
0x200: {  	s29 =	simm.s32 $0x40;
	s28 =	sand.u32 $0xF80, s4;
	v40 =	vadd.f32 v23, v26;
	v26 =	vmul.f32 v15, v5;
	v23 =	vld.idx.msk [tilespmem:v54+s5+$0x0], $0xffff;
	v15 =	vmul.f32 v30, v3  }
0x201: {  	s13 =	sor.u32 s28, s26;
	v14 =	vadd.f32 v24, v14;
	v24 =	vld [tilespmem:s29+$0x11300];
	v30 =	vadd.f32 v28, v38;
	(erf) = vpow2.f32 v31  }
0x202: {  	v28 =	vld [tilespmem:s13+$0x11300];
	v31 =	vmul.f32 v13, v4;
	(erf) = vpow2.f32 v19  }
0x203: {  	v34 =	vmul.f32 v17, v2;
	v61 =	vadd.f32 v26, v14;
	v21 =	vld [tilespmem:s19+$0x10680];
	(erf) = vpow2.f32 v60  }
0x204: {  	s2 =	sor.u32 s28, s2;
	v33 =	vmul.f32 v40, v56;
	v19 =	vmul.f32 v13, v2;
	v62 =	vadd.f32 v31, v29;
	v29 =	vld [tilespmem:s15+$0x80]  }
0x205: {  	s11 =	sor.u32 s28, s9;
	v14 =	vld [tilespmem:s2+$0x11300];
	v31 =	vmul.f32 v30, v27;
	v30 =	vpop (erf);
	v27 =	vmul.f32 v61, v58  }
0x206: {  	v26 =	vadd.f32 v59, v19;
	v19 =	vld [tilespmem:s11+$0x11300];
	v30 =	vmul.f32 v30, v57;
	v32 =	vadd.f32 v63, v62  }
.LBB2_9:
0x207: {  	s4 =	sadd.s32 $0x40, s4;
	v35 =	vmul.f32 v16, v16;
	v36 =	vld [tilespmem:s13+$0x10680];
	v16 =	vadd.f32 v33, v31;
	v25 =	vmul.f32 v25, v3;
	s6 =	sadd.s32 $0x100, s6  }
0x208: {  	s23 =	sand.u32 $0x40, s4;
	s9 =	sand.u32 $0x3E00, s6;
	p1 =	slt.u32 s4, $0xC40;
	v31 =	vld [tilespmem:s29+$0x10680];
	v32 =	vmul.f32 v32, v12;
	v33 =	vadd.f32 v18, v34;
	[tilespmem:s30+$0x15180] =	vst v30;
	v18 =	vmul.f32 v21, v23  }
0x209: {  	s24 =	sadd.s32 $0x11F80, s9;
	s9 =	sor.u32 $0x10, s23;
	s26 =	sor.u32 $0x20, s23;
	v21 =	vld.idx.msk [tilespmem:v24+s5+$0x0], $0xffff;
	v16 =	vadd.f32 v16, v25;
	v23 =	vmul.f32 v29, v2;
	v25 =	vmul.f32 v20, v22  }
0x20a: {  	s22 =	sor.u32 $0x30, s23;
	v24 =	vmul.f32 v29, v4;
	s28 =	sor.u32 s9, s24;
	s15 =	sor.u32 s26, s24;
	v22 =	vld.idx.msk [tilespmem:v28+s5+$0x0], $0xffff;
	v17 =	vmul.f32 v33, v17;
	v12 =	vpop (erf)  }
0x20b: {  	s30 =	smov.u32 s13;
	s23 =	sor.u32 s23, s24;
	s24 =	sor.u32 s22, s24;
	v28 =	vld [tilespmem:s15+$0x100];
	v16 =	vmul.f32 $1.442695020e+00, v16;
	v10 =	vadd.f32 v10, v23;
	v12 =	vmul.f32 v12, v25;
	v20 =	vpop (erf)  }
0x20c: {  	v23 =	vmul.f32 v11, v1;
	v30 =	vld [tilespmem:s24+$0x0];
	v18 =	vmul.f32 v20, v18;
	v20 =	vpop (erf)  }
0x20d: {  	v33 =	vld [tilespmem:s24+$0x100];
	v25 =	vmul.f32 v10, v29;
	v10 =	vmul.f32 v20, v7;
	[tilespmem:s20+$0x15180] =	vst v12;
	s20 =	smov.u32 s11  }
0x20e: {  	v34 =	vld [tilespmem:s28+$0x80];
	(erf) = vpow2.f32 v16;
	[tilespmem:s19+$0x15180] =	vst v18;
	s19 =	smov.u32 s2  }
0x20f: {  	v7 =	vmul.f32 v31, v21;
	v18 =	vadd.f32 v24, v23;
	v12 =	vld [tilespmem:s23+$0x0];
	[tilespmem:s18+$0x15180] =	vst v10;
	s18 =	smov.u32 s29  }
0x210: {  	v36 =	vmul.f32 v36, v22;
	v16 =	vld [tilespmem:s23+$0x100];
	v10 =	vmul.f32 v28, v6  }
0x211: {  	v21 =	vmul.f32 v35, v3;
	v23 =	vmul.f32 v8, v3;
	v22 =	vadd.f32 v9, v18;
	v20 =	vld [tilespmem:s28+$0x100]  }
0x212: {  	v24 =	vadd.f32 v17, v27;
	v29 =	vld [tilespmem:s28+$0x0];
	v18 =	vmul.f32 v33, v6;
	v8 =	vmul.f32 v33, v33  }
0x213: {  	v9 =	vmul.f32 v28, v5;
	v22 =	vmul.f32 v22, v11;
	v27 =	vld [tilespmem:s23+$0x80]  }
0x214: {  	v13 =	vmul.f32 v26, v13;
	v24 =	vadd.f32 v24, v23;
	v31 =	vmul.f32 v34, v2;
	v17 =	vld [tilespmem:s24+$0x80]  }
0x215: {  	v26 =	vmul.f32 v12, v1;
	v22 =	vadd.f32 v25, v22;
	v35 =	vmul.f32 v16, v6;
	v11 =	vld [tilespmem:s15+$0x0]  }
0x216: {  	v41 =	vadd.f32 v13, v32;
	v23 =	vmul.f32 v20, v5;
	v37 =	vmul.f32 v20, v6  }
0x217: {  	v38 =	vmul.f32 v34, v4;
	v15 =	vadd.f32 v22, v15;
	v32 =	vmul.f32 v29, v1;
	v39 =	vpop (erf)  }
0x218: {  	v40 =	vmul.f32 v30, v1;
	v25 =	vmul.f32 v20, v20;
	v22 =	vadd.f32 v41, v21;
	v20 =	vld [tilespmem:s20+$0x10680];
	v13 =	vmovc v27  }
0x219: {  	v27 =	vadd.f32 v38, v32;
	v32 =	vmul.f32 v17, v4;
	v38 =	vmul.f32 $1.442695020e+00, v15;
	v21 =	vld [tilespmem:s19+$0x10680]  }
0x21a: {  	v37 =	vadd.f32 v37, v31;
	v31 =	vmul.f32 $1.442695020e+00, v22;
	v15 =	vmul.f32 v28, v28;
	v22 =	vld.idx.msk [tilespmem:v19+s5+$0x0], $0xffff  }
0x21b: {  	s2 =	sand.u32 $0xF80, s4;
	s29 =	sshra.s32 s6, $0x2;
	v19 =	vadd.f32 v23, v27;
	v27 =	vmul.f32 v33, v5;
	v23 =	vld.idx.msk [tilespmem:v14+s5+$0x0], $0xffff;
	v14 =	vmul.f32 $1.442695020e+00, v24  }
0x21c: {  	s13 =	sor.u32 s2, s9;
	s11 =	sor.u32 s2, s26;
	s2 =	sor.u32 s2, s22;
	v15 =	vmul.f32 v15, v3;
	v32 =	vadd.f32 v32, v40;
	v24 =	vld [tilespmem:s29+$0x11300];
	(erf) = vpow2.f32 v38  }
.Ltmp5:
0x21d: {  	v33 =	vmul.f32 v13, v4;
	v28 =	vld [tilespmem:s13+$0x11300];
	(erf) = vpow2.f32 v14;
	(pc) =	sbr.rel @p1 .LBB2_9-.Ltmp5, $4  }
0x21e: {  	v38 =	vmul.f32 v13, v2;
	v27 =	vadd.f32 v27, v32;
	v14 =	vld [tilespmem:s2+$0x11300];
	(erf) = vpow2.f32 v31  }
0x21f: {  	v40 =	vmul.f32 v16, v5;
	v32 =	vadd.f32 v33, v26;
	v31 =	vmul.f32 v19, v29;
	v29 =	vld [tilespmem:s15+$0x80]  }
0x220: {  	v33 =	vmul.f32 v37, v34;
	v26 =	vadd.f32 v35, v38;
	v27 =	vmul.f32 v27, v30;
	v19 =	vld [tilespmem:s11+$0x11300]  }
0x221: {  	v34 =	vmul.f32 v17, v2;
	v32 =	vadd.f32 v40, v32;
	v30 =	vmul.f32 v39, v36  }
0x222: {  	_ =	sdelay $0x1  }
0x223: {  	v36 =	vmul.f32 v11, v1;
	v35 =	vmul.f32 v29, v4;
	_ =	sdelay $0x1  }
0x224: {  	v44 =	vmul.f32 v29, v2;
	v35 =	vadd.f32 v35, v36;
	_ =	sdelay $0x1  }
0x225: {  	v10 =	vadd.f32 v10, v44;
	v9 =	vadd.f32 v9, v35  }
0x226: {  	v16 =	vmul.f32 v16, v16;
	v18 =	vadd.f32 v18, v34  }
0x227: {  	v10 =	vmul.f32 v10, v29;
	v9 =	vmul.f32 v9, v11  }
0x228: {  	v45 =	vadd.f32 v33, v31;
	v25 =	vmul.f32 v25, v3;
	v17 =	vmul.f32 v18, v17  }
0x229: {  	v13 =	vmul.f32 v26, v13;
	v12 =	vmul.f32 v32, v12;
	v9 =	vadd.f32 v10, v9  }
0x22a: {  	v8 =	vmul.f32 v8, v3;
	v46 =	vadd.f32 v45, v25;
	v47 =	vadd.f32 v17, v27  }
0x22b: {  	v16 =	vmul.f32 v16, v3;
	v12 =	vadd.f32 v13, v12;
	v9 =	vadd.f32 v9, v15  }
0x22c: {  	v8 =	vadd.f32 v47, v8;
	v10 =	vmul.f32 $1.442695020e+00, v46  }
0x22d: {  	v48 =	vld [tilespmem:s13+$0x10680];
	v12 =	vadd.f32 v12, v16;
	v9 =	vmul.f32 $1.442695020e+00, v9  }
0x22e: {  	v49 =	vld [tilespmem:s29+$0x10680];
	v8 =	vmul.f32 $1.442695020e+00, v8;
	(erf) = vpow2.f32 v10  }
0x22f: {  	v50 =	vld.idx.msk [tilespmem:v28+s5+$0x0], $0xffff;
	v12 =	vmul.f32 $1.442695020e+00, v12;
	(erf) = vpow2.f32 v9  }
0x230: {  	v51 =	vld [tilespmem:s11+$0x10680];
	(erf) = vpow2.f32 v8  }
0x231: {  	v14 =	vld.idx.msk [tilespmem:v14+s5+$0x0], $0xffff;
	(erf) = vpow2.f32 v12  }
0x232: {  	v52 =	vld.idx.msk [tilespmem:v19+s5+$0x0], $0xffff  }
0x233: {  	v55 =	vmul.f32 v21, v23;
	v54 =	vpop (erf);
	v8 =	vld [tilespmem:s2+$0x10680]  }
0x234: {  	v56 =	vld.idx.msk [tilespmem:v24+s5+$0x0], $0xffff;
	v57 =	vpop (erf)  }
0x235: {  	v53 =	vmul.f32 v20, v22;
	v58 =	vpop (erf);
	v17 =	vmul.f32 v57, v55  }
0x236: {  	[tilespmem:s30+$0x15180] =	vst v30;
	v7 =	vmul.f32 v58, v7;
	v10 =	vmul.f32 v48, v50  }
0x237: {  	[tilespmem:s19+$0x15180] =	vst v17;
	v15 =	vmul.f32 v54, v53;
	v9 =	vmul.f32 v51, v52;
	v59 =	vpop (erf)  }
0x238: {  	s4 =	sor.u32 $0x60, s16;
	[tilespmem:s18+$0x15180] =	vst v7;
	v10 =	vmul.f32 v59, v10;
	v8 =	vmul.f32 v8, v14;
	v60 =	vpop (erf)  }
0x239: {  	p1 =	slt.u32 s4, $0x271;
	v61 =	vmul.f32 v49, v56;
	[tilespmem:s20+$0x15180] =	vst v15;
	v7 =	vmul.f32 v60, v9;
	v62 =	vpop (erf)  }
.Ltmp6:
0x23a: {  	s17 =	smov.u32 @p1 s4;
	[tilespmem:s13+$0x15180] =	vst v10;
	v8 =	vmul.f32 v62, v8;
	v63 =	vpop (erf);
	(pc) =	sbr.rel @p0 .LBB2_12-.Ltmp6, $4  }
0x23b: {  	s4 =	smul.u32 $0x190, s17;
	v9 =	vmul.f32 v63, v61;
	[tilespmem:s11+$0x15180] =	vst v7  }
0x23c: {  	[tilespmem:s2+$0x15180] =	vst v8  }
0x23d: {  	s30 =	simm.s32 $0x15180;
	[tilespmem:s29+$0x15180] =	vst v9;
	s29 =	sadd.s32 s7, s4  }
0x23e: {  	[hbm4b:s29+s8] =	stream.linear.scatter [tilespmem:s30], [sflag:$0x8], $0xC80, $0x38;
	[tilespmem:$0x15F00] =	vst v63  }
0x23f: {  	s2 =	rddreg [dreg:$0x18]  }
0x240: {  	s2 =	sadd.s32 s2, s25  }
0x241: {  	p0 =	slt.u32 s2, $0x271;
	s4 =	sadd.s32 $0xFFFFFFE0, s2  }
0x242: {  	s4 =	smov.u32 @p0 s2  }
0x243: {  	s2 =	smul.u32 $0x190, s4;
	_ =	sdelay $0x1  }
0x244: {  	s9 =	simm.s32 $0x10680;
	s6 =	sadd.s32 s0, s2  }
0x245: {  	[tilespmem:s9], [sflag:$0x7] =	stream.linear.gather [hbm4b:s6+s8], $0xC80, $0x38;
	[tilespmem:$0x15F00] =	vst v63  }
.Ltmp7:
0x246: {  	_ = 	snop;
	(pc) =	sbr.rel .LBB2_2-.Ltmp7, $4  }
0x247: {  	s28 =	simm.s32 $0x11300;
	s4 =	smul.u32 $0x640, s4;
	s2 =	sadd.s32 s3, s2  }
0x248: {  	[tilespmem:s28], [sflag:$0x7] =	stream.linear.gather [hbm4b:s2+s8], $0xC80, $0x38;
	[tilespmem:$0x15F00] =	vst v63  }
0x249: {  	s30 =	simm.s32 $0x11F80;
	s21 =	sadd.s32 $0x1, s21;
	s29 =	sadd.s32 s1, s4  }
0x24a: {  	[tilespmem:s30], [sflag:$0x7] =	stream.linear.gather [hbm4b:s29+s8], $0x3200, $0x38;
	[tilespmem:$0x15F00] =	vst v63  }
.LBB2_13:
0x24b: {  	_ =	sfence.sel $0x180000  }
0x24c: {  	[bflag:$0x0] =	sbarrier.arrive $0xFFFF  }
0x24d: {  	_ =	strace $0x90000047  }
0x24e: {  	s0 =	stileid.u32;
	[bflag:$0x2] =	sbarrier.arrive $0xFFFF  }
0x24f: {  	p0 =	sne.s32 s0, $0x0;
	s0 =	rddreg [dreg:$0x6]  }
0x250: {  	s0 =	sadd.s32 @!p0 $0x100000, s0  }
0x251: {  	[sflag:s0] =	ssyncadd.tile.s32 @!p0 $0x1;
	_ =	shalt  }
.Lfunc_end2:
_tile_overlayer_lowered:
.L_overlay_start_2:
0x252: {  	(tag) =	ssettag $0x2  }
0x253: {  	s0 =	rddreg [dreg:$0x0];
	s2 =	stileid.u32  }
0x254: {  	s1 =	rddreg [dreg:$0x1];
	p0 =	sne.s32 s2, $0x0  }
0x255: {  	s3 =	rddreg [dreg:$0x2];
	[bflag:$0x3] =	sbarrier.arrive $0xFFFF;
	s2 =	simm.s32 @!p0 $0x1C09  }
0x256: {  	[timem:s3], [sflag:s2] =	dma.local @!p0 [hbm:s0], s1  }
0x257: {  	s0 =	simm.s32 @!p0 $0x9  }
0x258: {  	_ =	swait.ge @!p0 [sflag:s0], s1  }
0x259: {  	s1 =	ssub.s32 @!p0 $0x0, s1;
	[sflag:s0] =	ssyncset.done @!p0 $0x0  }
0x25a: {  	[sflag:s0] =	ssyncadd.s32 @!p0 s1  }
0x25b: {  	[bflag:$0x3] =	sbarrier.arrive $0xFFFF  }
0x25c: {  	_ =	shalt  }

</sc_bundles>
